<compile_context>
chip_gen: v7x
topology: tpu7x:2x2x1
jax: 0.10.2.dev20260603
libtpu: 0.0.44.dev20260713+nightly
codegen_flags: <defaults>
</compile_context>

<pallas_src>
import functools

import jax
import jax.numpy as jnp
from jax import lax
from jax.experimental import pallas as pl
from jax.experimental.pallas import tpu as pltpu
from jax.experimental.pallas import tpu_sc as plsc

DIM = 128
NC = 2
NS = 16
NW = NC * NS
CHUNK = 128


K0, K1 = 144, 16
G0, G1 = 24, 16
STAGES = 5


def _sc_segment_sum(x, src_t, dst_t, n_acc, u):
    rows_pt = n_acc // NS
    k0, k1, g0, g1 = K0 * u, K1 * u, G0, G1
    s0, s1 = k0 // g0, k1 // g1

    mesh = plsc.VectorSubcoreMesh(core_axis_name="c", subcore_axis_name="s")

    @functools.partial(
        pl.kernel,
        out_type=jax.ShapeDtypeStruct((NC, n_acc, DIM), jnp.float32),
        mesh=mesh,
        scratch_types=[
            pltpu.VMEM((G0, CHUNK), jnp.int32),
            pltpu.VMEM((G0, CHUNK), jnp.int32),
            pltpu.VMEM((G0, CHUNK), jnp.int32),
            pltpu.VMEM((G0, CHUNK), jnp.int32),
            pltpu.VMEM((CHUNK, DIM), jnp.float32),
            pltpu.VMEM((CHUNK, DIM), jnp.float32),
            pltpu.VMEM_SHARED((n_acc, DIM), jnp.float32),
            pltpu.SemaphoreType.DMA,
            pltpu.SemaphoreType.DMA,
            pltpu.SemaphoreType.DMA,
            pltpu.SemaphoreType.DMA,
        ],
    )
    def kern(x_hbm, src_hbm, dst_hbm, out_hbm,
             src_v0, dst_v0, src_v1, dst_v1, rows_a, rows_b, acc,
             sem_a, sem_b, isem0, isem1):
        cid = lax.axis_index("c")
        sid = lax.axis_index("s")
        srcs, dsts, isems = (src_v0, src_v1), (dst_v0, dst_v1), (isem0, isem1)

        def zrow(i, carry):
            for l in range(DIM // 16):
                rows_a[i, pl.ds(l * 16, 16)] = jnp.zeros((16,), jnp.float32)
            return carry

        lax.fori_loop(0, CHUNK, zrow, 0)
        base = sid * rows_pt
        full, rem = rows_pt // CHUNK, rows_pt % CHUNK
        for b in range(full):
            pltpu.sync_copy(rows_a, acc.at[pl.ds(base + b * CHUNK, CHUNK)])
        if rem:
            pltpu.sync_copy(rows_a.at[pl.ds(0, rem)],
                            acc.at[pl.ds(base + full * CHUNK, rem)])
        plsc.subcore_barrier()

        def pipeline(start_c, g, stages):
            pltpu.async_copy(src_hbm.at[pl.ds(start_c, g)],
                             srcs[0].at[pl.ds(0, g)], isems[0])
            pltpu.async_copy(dst_hbm.at[pl.ds(start_c, g)],
                             dsts[0].at[pl.ds(0, g)], isems[0])
            for st in range(stages):
                cur, nxt = st % 2, (st + 1) % 2
                sv, dv = srcs[cur], dsts[cur]
                pltpu.make_async_copy(
                    src_hbm.at[pl.ds(start_c, g)],
                    sv.at[pl.ds(0, g)], isems[cur]).wait()
                pltpu.make_async_copy(
                    dst_hbm.at[pl.ds(start_c, g)],
                    dv.at[pl.ds(0, g)], isems[cur]).wait()
                if st + 1 < stages:
                    c1 = start_c + (st + 1) * g
                    pltpu.async_copy(src_hbm.at[pl.ds(c1, g)],
                                     srcs[nxt].at[pl.ds(0, g)], isems[nxt])
                    pltpu.async_copy(dst_hbm.at[pl.ds(c1, g)],
                                     dsts[nxt].at[pl.ds(0, g)], isems[nxt])
                pltpu.async_copy(x_hbm.at[sv.at[0]], rows_a, sem_a)

                def step(i, carry, sv=sv, dv=dv, g=g):
                    j0 = 2 * i
                    j1 = j0 + 1
                    pltpu.make_async_copy(
                        x_hbm.at[sv.at[0]], rows_a, sem_a).wait()
                    pltpu.async_copy(x_hbm.at[sv.at[j1]], rows_b, sem_b)
                    pltpu.sync_copy(rows_a, acc.at[dv.at[j0]], add=True)
                    pltpu.make_async_copy(
                        x_hbm.at[sv.at[0]], rows_b, sem_b).wait()

                    @pl.when(j1 + 1 < g)
                    def _():
                        pltpu.async_copy(
                            x_hbm.at[sv.at[j1 + 1]], rows_a, sem_a)

                    pltpu.sync_copy(rows_b, acc.at[dv.at[j1]], add=True)
                    return carry

                lax.fori_loop(0, g // 2, step, 0)

        @pl.when(cid == 0)
        def _():
            pipeline(sid * k0, g0, s0)

        @pl.when(cid == 1)
        def _():
            pipeline(NS * k0 + sid * k1, g1, s1)

        plsc.subcore_barrier()
        pltpu.sync_copy(acc.at[pl.ds(base, rows_pt)],
                        out_hbm.at[cid, pl.ds(base, rows_pt)])

    return kern(x, src_t, dst_t)


def _gru_body(parts_ref, x_ref, wih_ref, whh_ref, bih_ref, bhh_ref,
              gam_ref, bet_ref, o_ref):
    msg = parts_ref[0] + parts_ref[1]
    xb = x_ref[...]
    dn = (((1,), (1,)), ((), ()))
    gi = lax.dot_general(msg, wih_ref[...], dn,
                         preferred_element_type=jnp.float32) + bih_ref[...]
    gh = lax.dot_general(xb, whh_ref[...], dn,
                         preferred_element_type=jnp.float32) + bhh_ref[...]
    r = jax.nn.sigmoid(gi[:, :DIM] + gh[:, :DIM])
    z = jax.nn.sigmoid(gi[:, DIM:2 * DIM] + gh[:, DIM:2 * DIM])
    n = jnp.tanh(gi[:, 2 * DIM:] + r * gh[:, 2 * DIM:])
    h = (1.0 - z) * n + z * xb
    mu = jnp.mean(h, axis=1, keepdims=True)
    d = h - mu
    var = jnp.mean(d * d, axis=1, keepdims=True)
    o_ref[...] = d * lax.rsqrt(var + 1e-5) * gam_ref[...] + bet_ref[...]


def _gru_tc(parts, x, w_ih, w_hh, b_ih, b_hh, gamma, beta, blk):
    n = x.shape[0]
    grid = (n // blk,)
    return pl.pallas_call(
        _gru_body,
        grid=grid,
        in_specs=[
            pl.BlockSpec((NC, blk, DIM), lambda i: (0, i, 0)),
            pl.BlockSpec((blk, DIM), lambda i: (i, 0)),
            pl.BlockSpec((3 * DIM, DIM), lambda i: (0, 0)),
            pl.BlockSpec((3 * DIM, DIM), lambda i: (0, 0)),
            pl.BlockSpec((1, 3 * DIM), lambda i: (0, 0)),
            pl.BlockSpec((1, 3 * DIM), lambda i: (0, 0)),
            pl.BlockSpec((1, DIM), lambda i: (0, 0)),
            pl.BlockSpec((1, DIM), lambda i: (0, 0)),
        ],
        out_specs=pl.BlockSpec((blk, DIM), lambda i: (i, 0)),
        out_shape=jax.ShapeDtypeStruct((n, DIM), jnp.float32),
    )(parts, x, w_ih, w_hh, b_ih, b_hh, gamma, beta)


@jax.jit
def kernel(x, edge_index, W_ih, W_hh, b_ih, b_hh, ln_gamma, ln_beta):
    n = x.shape[0]
    e = edge_index.shape[1]

    per_u = CHUNK * NS * (K0 + K1)
    u = -(-e // per_u)
    e_pad = u * per_u
    src = jnp.concatenate(
        [edge_index[0], jnp.zeros((e_pad - e,), jnp.int32)]).reshape(-1, CHUNK)
    dst = jnp.concatenate(
        [edge_index[1], jnp.full((e_pad - e,), n, jnp.int32)]).reshape(-1, CHUNK)

    n_acc = -(-(n + 1) // (NS * 8)) * (NS * 8)

    parts = _sc_segment_sum(x, src, dst, n_acc, u)
    parts = lax.slice(parts, (0, 0, 0), (NC, n, DIM))

    return _gru_tc(parts, x, W_ih, W_hh, b_ih.reshape(1, -1),
                   b_hh.reshape(1, -1), ln_gamma.reshape(1, -1),
                   ln_beta.reshape(1, -1), blk=2000)

# --- scband reference (transcript-rebuilt; emitter-appended) ---
"""Pipeline reference for scband-node-mpnn-32890859553196 (READ-ONLY COPY).

The authoritative reference and input builder live on the scoring server;
editing this copy changes nothing except your own understanding.
"""

import jax, jax.numpy as jnp
import numpy as np

N = 10000
E = 320000
DIM = 128

def setup_inputs(seed: int = 0) -> dict:
    key = jax.random.key(seed)
    ks = jax.random.split(key, 9)
    x = jax.random.normal(ks[0], (N, DIM), dtype=jnp.float32)
    edge_index = jax.random.randint(ks[1], (2, E), 0, N, dtype=jnp.int32)
    s = 1.0 / np.sqrt(DIM)
    W_ih = jax.random.uniform(ks[2], (3 * DIM, DIM), minval=-s, maxval=s, dtype=jnp.float32)
    W_hh = jax.random.uniform(ks[3], (3 * DIM, DIM), minval=-s, maxval=s, dtype=jnp.float32)
    b_ih = jax.random.uniform(ks[4], (3 * DIM,), minval=-s, maxval=s, dtype=jnp.float32)
    b_hh = jax.random.uniform(ks[5], (3 * DIM,), minval=-s, maxval=s, dtype=jnp.float32)
    ln_gamma = jnp.ones((DIM,), dtype=jnp.float32)
    ln_beta = jnp.zeros((DIM,), dtype=jnp.float32)
    return {"x": x, "edge_index": edge_index, "W_ih": W_ih, "W_hh": W_hh, "b_ih": b_ih, "b_hh": b_hh, "ln_gamma": ln_gamma, "ln_beta": ln_beta}

def reference(x, edge_index, W_ih, W_hh, b_ih, b_hh, ln_gamma, ln_beta):
    # message passing: each edge sends the source node features; reduce = sum at dst
    src = edge_index[0]
    dst = edge_index[1]
    gathered = jnp.take(x, src, axis=0)
    msg = jax.ops.segment_sum(gathered, dst, num_segments=x.shape[0])
    # single-step GRU update: input = msg, hidden = x (seq dim of size 1 squeezed)
    gi = msg @ W_ih.T + b_ih
    gh = x @ W_hh.T + b_hh
    i_r, i_z, i_n = jnp.split(gi, 3, axis=-1)
    h_r, h_z, h_n = jnp.split(gh, 3, axis=-1)
    r = jax.nn.sigmoid(i_r + h_r)
    z = jax.nn.sigmoid(i_z + h_z)
    n = jnp.tanh(i_n + r * h_n)
    h_new = (1.0 - z) * n + z * x
    # layer norm
    mu = jnp.mean(h_new, axis=-1, keepdims=True)
    var = jnp.var(h_new, axis=-1, keepdims=True)
    h_norm = (h_new - mu) / jnp.sqrt(var + 1e-5)
    return h_norm * ln_gamma + ln_beta

if __name__ == "__main__":
    import jax
    _d = setup_inputs()
    print(jax.jit(kernel)(*tuple(_d.values())))

</pallas_src>

<mosaic_0001>
#map = affine_map<(d0, d1) -> (0, 0)>
#map1 = affine_map<(d0, d1) -> (0, 0, 0)>
module attributes {stable_mosaic.version = 14 : i64} {
  func.func @kern(%arg0: i32, %arg1: i32, %arg2: memref<10000x128xf32, #tpu.memory_space<hbm>>, %arg3: memref<2560x128xi32, #tpu.memory_space<hbm>>, %arg4: memref<2560x128xi32, #tpu.memory_space<hbm>>, %arg5: memref<2x10112x128xf32, #tpu.memory_space<hbm>>, %arg6: memref<24x128xi32, #tpu.memory_space<vmem>>, %arg7: memref<24x128xi32, #tpu.memory_space<vmem>>, %arg8: memref<24x128xi32, #tpu.memory_space<vmem>>, %arg9: memref<24x128xi32, #tpu.memory_space<vmem>>, %arg10: memref<128x128xf32, #tpu.memory_space<vmem>>, %arg11: memref<128x128xf32, #tpu.memory_space<vmem>>, %arg12: memref<10112x128xf32, #tpu.memory_space<vmem_shared>>, %arg13: memref<!tpu.dma_semaphore, #tpu.memory_space<semaphore_mem>>, %arg14: memref<!tpu.dma_semaphore, #tpu.memory_space<semaphore_mem>>, %arg15: memref<!tpu.dma_semaphore, #tpu.memory_space<semaphore_mem>>, %arg16: memref<!tpu.dma_semaphore, #tpu.memory_space<semaphore_mem>>) attributes {dimension_semantics = [#tpu.dimension_semantics<core_parallel>, #tpu.dimension_semantics<subcore_parallel>], iteration_bounds = array<i64: 2, 16>, scalar_prefetch = 0 : i64, scratch_operands = 11 : i64, tpu.core_type = #tpu.core_type<sc_vector_subcore>, window_params = [{transform_indices = #map}, {transform_indices = #map}, {transform_indices = #map}, {transform_indices = #map1}]} {
    %scan3A = arith.constant 0 : i32
    %scan3A_0 = arith.constant 0 : i32
    %scan3A_1 = arith.constant 128 : i32
    %scan3A_2 = arith.addi %scan3A_0, %scan3A_1 : i32
    %scan3A_3 = arith.constant 1 : i32
    scf.for %scan3A_23 = %scan3A_0 to %scan3A_2 step %scan3A_3  : i32 {
      %broadcast_in_dim3A = arith.constant 0.000000e+00 : f32
      %broadcast_in_dim3A_24 = vector.broadcast %broadcast_in_dim3A : f32 to vector<16xf32>
      %swap3A = arith.index_cast %scan3A_23 : i32 to index
      %swap3A_25 = arith.constant 0 : index
      %swap3A_26 = tpu.vector_load %arg10[%swap3A, %swap3A_25] {strides = array<i32>} : memref<128x128xf32, #tpu.memory_space<vmem>>, vector<1x16xf32>,
      %swap3A_27 = vector.shape_cast %swap3A_26 : vector<1x16xf32> to vector<16xf32>
      %swap3A_28 = vector.shape_cast %broadcast_in_dim3A_24 : vector<16xf32> to vector<1x16xf32>
      tpu.vector_store %arg10[%swap3A, %swap3A_25], %swap3A_28 {strides = array<i32>} : memref<128x128xf32, #tpu.memory_space<vmem>>, vector<1x16xf32>,
      %broadcast_in_dim3A_29 = arith.constant 0.000000e+00 : f32
      %broadcast_in_dim3A_30 = vector.broadcast %broadcast_in_dim3A_29 : f32 to vector<16xf32>
      %swap3A_31 = arith.index_cast %scan3A_23 : i32 to index
      %swap3A_32 = arith.constant 16 : index
      %swap3A_33 = tpu.vector_load %arg10[%swap3A_31, %swap3A_32] {strides = array<i32>} : memref<128x128xf32, #tpu.memory_space<vmem>>, vector<1x16xf32>,
      %swap3A_34 = vector.shape_cast %swap3A_33 : vector<1x16xf32> to vector<16xf32>
      %swap3A_35 = vector.shape_cast %broadcast_in_dim3A_30 : vector<16xf32> to vector<1x16xf32>
      tpu.vector_store %arg10[%swap3A_31, %swap3A_32], %swap3A_35 {strides = array<i32>} : memref<128x128xf32, #tpu.memory_space<vmem>>, vector<1x16xf32>,
      %broadcast_in_dim3A_36 = arith.constant 0.000000e+00 : f32
      %broadcast_in_dim3A_37 = vector.broadcast %broadcast_in_dim3A_36 : f32 to vector<16xf32>
      %swap3A_38 = arith.index_cast %scan3A_23 : i32 to index
      %swap3A_39 = arith.constant 32 : index
      %swap3A_40 = tpu.vector_load %arg10[%swap3A_38, %swap3A_39] {strides = array<i32>} : memref<128x128xf32, #tpu.memory_space<vmem>>, vector<1x16xf32>,
      %swap3A_41 = vector.shape_cast %swap3A_40 : vector<1x16xf32> to vector<16xf32>
      %swap3A_42 = vector.shape_cast %broadcast_in_dim3A_37 : vector<16xf32> to vector<1x16xf32>
      tpu.vector_store %arg10[%swap3A_38, %swap3A_39], %swap3A_42 {strides = array<i32>} : memref<128x128xf32, #tpu.memory_space<vmem>>, vector<1x16xf32>,
      %broadcast_in_dim3A_43 = arith.constant 0.000000e+00 : f32
      %broadcast_in_dim3A_44 = vector.broadcast %broadcast_in_dim3A_43 : f32 to vector<16xf32>
      %swap3A_45 = arith.index_cast %scan3A_23 : i32 to index
      %swap3A_46 = arith.constant 48 : index
      %swap3A_47 = tpu.vector_load %arg10[%swap3A_45, %swap3A_46] {strides = array<i32>} : memref<128x128xf32, #tpu.memory_space<vmem>>, vector<1x16xf32>,
      %swap3A_48 = vector.shape_cast %swap3A_47 : vector<1x16xf32> to vector<16xf32>
      %swap3A_49 = vector.shape_cast %broadcast_in_dim3A_44 : vector<16xf32> to vector<1x16xf32>
      tpu.vector_store %arg10[%swap3A_45, %swap3A_46], %swap3A_49 {strides = array<i32>} : memref<128x128xf32, #tpu.memory_space<vmem>>, vector<1x16xf32>,
      %broadcast_in_dim3A_50 = arith.constant 0.000000e+00 : f32
      %broadcast_in_dim3A_51 = vector.broadcast %broadcast_in_dim3A_50 : f32 to vector<16xf32>
      %swap3A_52 = arith.index_cast %scan3A_23 : i32 to index
      %swap3A_53 = arith.constant 64 : index
      %swap3A_54 = tpu.vector_load %arg10[%swap3A_52, %swap3A_53] {strides = array<i32>} : memref<128x128xf32, #tpu.memory_space<vmem>>, vector<1x16xf32>,
      %swap3A_55 = vector.shape_cast %swap3A_54 : vector<1x16xf32> to vector<16xf32>
      %swap3A_56 = vector.shape_cast %broadcast_in_dim3A_51 : vector<16xf32> to vector<1x16xf32>
      tpu.vector_store %arg10[%swap3A_52, %swap3A_53], %swap3A_56 {strides = array<i32>} : memref<128x128xf32, #tpu.memory_space<vmem>>, vector<1x16xf32>,
      %broadcast_in_dim3A_57 = arith.constant 0.000000e+00 : f32
      %broadcast_in_dim3A_58 = vector.broadcast %broadcast_in_dim3A_57 : f32 to vector<16xf32>
      %swap3A_59 = arith.index_cast %scan3A_23 : i32 to index
      %swap3A_60 = arith.constant 80 : index
      %swap3A_61 = tpu.vector_load %arg10[%swap3A_59, %swap3A_60] {strides = array<i32>} : memref<128x128xf32, #tpu.memory_space<vmem>>, vector<1x16xf32>,
      %swap3A_62 = vector.shape_cast %swap3A_61 : vector<1x16xf32> to vector<16xf32>
      %swap3A_63 = vector.shape_cast %broadcast_in_dim3A_58 : vector<16xf32> to vector<1x16xf32>
      tpu.vector_store %arg10[%swap3A_59, %swap3A_60], %swap3A_63 {strides = array<i32>} : memref<128x128xf32, #tpu.memory_space<vmem>>, vector<1x16xf32>,
      %broadcast_in_dim3A_64 = arith.constant 0.000000e+00 : f32
      %broadcast_in_dim3A_65 = vector.broadcast %broadcast_in_dim3A_64 : f32 to vector<16xf32>
      %swap3A_66 = arith.index_cast %scan3A_23 : i32 to index
      %swap3A_67 = arith.constant 96 : index
      %swap3A_68 = tpu.vector_load %arg10[%swap3A_66, %swap3A_67] {strides = array<i32>} : memref<128x128xf32, #tpu.memory_space<vmem>>, vector<1x16xf32>,
      %swap3A_69 = vector.shape_cast %swap3A_68 : vector<1x16xf32> to vector<16xf32>
      %swap3A_70 = vector.shape_cast %broadcast_in_dim3A_65 : vector<16xf32> to vector<1x16xf32>
      tpu.vector_store %arg10[%swap3A_66, %swap3A_67], %swap3A_70 {strides = array<i32>} : memref<128x128xf32, #tpu.memory_space<vmem>>, vector<1x16xf32>,
      %broadcast_in_dim3A_71 = arith.constant 0.000000e+00 : f32
      %broadcast_in_dim3A_72 = vector.broadcast %broadcast_in_dim3A_71 : f32 to vector<16xf32>
      %swap3A_73 = arith.index_cast %scan3A_23 : i32 to index
      %swap3A_74 = arith.constant 112 : index
      %swap3A_75 = tpu.vector_load %arg10[%swap3A_73, %swap3A_74] {strides = array<i32>} : memref<128x128xf32, #tpu.memory_space<vmem>>, vector<1x16xf32>,
      %swap3A_76 = vector.shape_cast %swap3A_75 : vector<1x16xf32> to vector<16xf32>
      %swap3A_77 = vector.shape_cast %broadcast_in_dim3A_72 : vector<16xf32> to vector<1x16xf32>
      tpu.vector_store %arg10[%swap3A_73, %swap3A_74], %swap3A_77 {strides = array<i32>} : memref<128x128xf32, #tpu.memory_space<vmem>>, vector<1x16xf32>,
    }
    %scan3A_4 = arith.constant 128 : i32
    %mul3A = arith.constant 632 : i32
    %mul3A_5 = arith.muli %arg1, %mul3A : i32
    %add3A = arith.constant 0 : i32
    %add3A_6 = arith.addi %mul3A_5, %add3A : i32
    "tpu.region"() ({
      %run_scoped3A = tpu.sem_alloc : memref<!tpu.dma_semaphore, #tpu.memory_space<semaphore_mem>>
      %dma_start3A = arith.constant 0 : i32
      %dma_start3A_23 = tpu.memref_slice %arg12[%add3A_6, %dma_start3A] : memref<10112x128xf32, #tpu.memory_space<vmem_shared>> -> memref<128x128xf32, #tpu.memory_space<vmem_shared>>
      %dma_start3A_24 = arith.constant 0 : i32
      %dma_start3A_25 = tpu.memref_slice %arg12[%add3A_6, %dma_start3A_24] : memref<10112x128xf32, #tpu.memory_space<vmem_shared>> -> memref<128x128xf32, #tpu.memory_space<vmem_shared>>
      tpu.enqueue_dma source(%arg10 : memref<128x128xf32, #tpu.memory_space<vmem>>) target(%dma_start3A_25 : memref<128x128xf32, #tpu.memory_space<vmem_shared>>) target_semaphore(%run_scoped3A : memref<!tpu.dma_semaphore, #tpu.memory_space<semaphore_mem>>)
      %dma_wait3A = arith.constant 0 : i32
      %dma_wait3A_26 = tpu.memref_slice %arg12[%add3A_6, %dma_wait3A] : memref<10112x128xf32, #tpu.memory_space<vmem_shared>> -> memref<128x128xf32, #tpu.memory_space<vmem_shared>>
      %dma_wait3A_27 = arith.constant 0 : i32
      %dma_wait3A_28 = tpu.memref_slice %arg12[%add3A_6, %dma_wait3A_27] : memref<10112x128xf32, #tpu.memory_space<vmem_shared>> -> memref<128x128xf32, #tpu.memory_space<vmem_shared>>
      tpu.wait_dma2 semaphore(%run_scoped3A : memref<!tpu.dma_semaphore, #tpu.memory_space<semaphore_mem>>) src(%arg10 : memref<128x128xf32, #tpu.memory_space<vmem>>) dst(%dma_wait3A_28 : memref<128x128xf32, #tpu.memory_space<vmem_shared>>)
      tpu.yield
    }) : () -> ()
    %add3A_7 = arith.constant 128 : i32
    %add3A_8 = arith.addi %mul3A_5, %add3A_7 : i32
    "tpu.region"() ({
      %run_scoped3A = tpu.sem_alloc : memref<!tpu.dma_semaphore, #tpu.memory_space<semaphore_mem>>
      %dma_start3A = arith.constant 0 : i32
      %dma_start3A_23 = tpu.memref_slice %arg12[%add3A_8, %dma_start3A] : memref<10112x128xf32, #tpu.memory_space<vmem_shared>> -> memref<128x128xf32, #tpu.memory_space<vmem_shared>>
      %dma_start3A_24 = arith.constant 0 : i32
      %dma_start3A_25 = tpu.memref_slice %arg12[%add3A_8, %dma_start3A_24] : memref<10112x128xf32, #tpu.memory_space<vmem_shared>> -> memref<128x128xf32, #tpu.memory_space<vmem_shared>>
      tpu.enqueue_dma source(%arg10 : memref<128x128xf32, #tpu.memory_space<vmem>>) target(%dma_start3A_25 : memref<128x128xf32, #tpu.memory_space<vmem_shared>>) target_semaphore(%run_scoped3A : memref<!tpu.dma_semaphore, #tpu.memory_space<semaphore_mem>>)
      %dma_wait3A = arith.constant 0 : i32
      %dma_wait3A_26 = tpu.memref_slice %arg12[%add3A_8, %dma_wait3A] : memref<10112x128xf32, #tpu.memory_space<vmem_shared>> -> memref<128x128xf32, #tpu.memory_space<vmem_shared>>
      %dma_wait3A_27 = arith.constant 0 : i32
      %dma_wait3A_28 = tpu.memref_slice %arg12[%add3A_8, %dma_wait3A_27] : memref<10112x128xf32, #tpu.memory_space<vmem_shared>> -> memref<128x128xf32, #tpu.memory_space<vmem_shared>>
      tpu.wait_dma2 semaphore(%run_scoped3A : memref<!tpu.dma_semaphore, #tpu.memory_space<semaphore_mem>>) src(%arg10 : memref<128x128xf32, #tpu.memory_space<vmem>>) dst(%dma_wait3A_28 : memref<128x128xf32, #tpu.memory_space<vmem_shared>>)
      tpu.yield
    }) : () -> ()
    %add3A_9 = arith.constant 256 : i32
    %add3A_10 = arith.addi %mul3A_5, %add3A_9 : i32
    "tpu.region"() ({
      %run_scoped3A = tpu.sem_alloc : memref<!tpu.dma_semaphore, #tpu.memory_space<semaphore_mem>>
      %dma_start3A = arith.constant 0 : i32
      %dma_start3A_23 = tpu.memref_slice %arg12[%add3A_10, %dma_start3A] : memref<10112x128xf32, #tpu.memory_space<vmem_shared>> -> memref<128x128xf32, #tpu.memory_space<vmem_shared>>
      %dma_start3A_24 = arith.constant 0 : i32
      %dma_start3A_25 = tpu.memref_slice %arg12[%add3A_10, %dma_start3A_24] : memref<10112x128xf32, #tpu.memory_space<vmem_shared>> -> memref<128x128xf32, #tpu.memory_space<vmem_shared>>
      tpu.enqueue_dma source(%arg10 : memref<128x128xf32, #tpu.memory_space<vmem>>) target(%dma_start3A_25 : memref<128x128xf32, #tpu.memory_space<vmem_shared>>) target_semaphore(%run_scoped3A : memref<!tpu.dma_semaphore, #tpu.memory_space<semaphore_mem>>)
      %dma_wait3A = arith.constant 0 : i32
      %dma_wait3A_26 = tpu.memref_slice %arg12[%add3A_10, %dma_wait3A] : memref<10112x128xf32, #tpu.memory_space<vmem_shared>> -> memref<128x128xf32, #tpu.memory_space<vmem_shared>>
      %dma_wait3A_27 = arith.constant 0 : i32
      %dma_wait3A_28 = tpu.memref_slice %arg12[%add3A_10, %dma_wait3A_27] : memref<10112x128xf32, #tpu.memory_space<vmem_shared>> -> memref<128x128xf32, #tpu.memory_space<vmem_shared>>
      tpu.wait_dma2 semaphore(%run_scoped3A : memref<!tpu.dma_semaphore, #tpu.memory_space<semaphore_mem>>) src(%arg10 : memref<128x128xf32, #tpu.memory_space<vmem>>) dst(%dma_wait3A_28 : memref<128x128xf32, #tpu.memory_space<vmem_shared>>)
      tpu.yield
    }) : () -> ()
    %add3A_11 = arith.constant 384 : i32
    %add3A_12 = arith.addi %mul3A_5, %add3A_11 : i32
    "tpu.region"() ({
      %run_scoped3A = tpu.sem_alloc : memref<!tpu.dma_semaphore, #tpu.memory_space<semaphore_mem>>
      %dma_start3A = arith.constant 0 : i32
      %dma_start3A_23 = tpu.memref_slice %arg12[%add3A_12, %dma_start3A] : memref<10112x128xf32, #tpu.memory_space<vmem_shared>> -> memref<128x128xf32, #tpu.memory_space<vmem_shared>>
      %dma_start3A_24 = arith.constant 0 : i32
      %dma_start3A_25 = tpu.memref_slice %arg12[%add3A_12, %dma_start3A_24] : memref<10112x128xf32, #tpu.memory_space<vmem_shared>> -> memref<128x128xf32, #tpu.memory_space<vmem_shared>>
      tpu.enqueue_dma source(%arg10 : memref<128x128xf32, #tpu.memory_space<vmem>>) target(%dma_start3A_25 : memref<128x128xf32, #tpu.memory_space<vmem_shared>>) target_semaphore(%run_scoped3A : memref<!tpu.dma_semaphore, #tpu.memory_space<semaphore_mem>>)
      %dma_wait3A = arith.constant 0 : i32
      %dma_wait3A_26 = tpu.memref_slice %arg12[%add3A_12, %dma_wait3A] : memref<10112x128xf32, #tpu.memory_space<vmem_shared>> -> memref<128x128xf32, #tpu.memory_space<vmem_shared>>
      %dma_wait3A_27 = arith.constant 0 : i32
      %dma_wait3A_28 = tpu.memref_slice %arg12[%add3A_12, %dma_wait3A_27] : memref<10112x128xf32, #tpu.memory_space<vmem_shared>> -> memref<128x128xf32, #tpu.memory_space<vmem_shared>>
      tpu.wait_dma2 semaphore(%run_scoped3A : memref<!tpu.dma_semaphore, #tpu.memory_space<semaphore_mem>>) src(%arg10 : memref<128x128xf32, #tpu.memory_space<vmem>>) dst(%dma_wait3A_28 : memref<128x128xf32, #tpu.memory_space<vmem_shared>>)
      tpu.yield
    }) : () -> ()
    %add3A_13 = arith.constant 512 : i32
    %add3A_14 = arith.addi %mul3A_5, %add3A_13 : i32
    "tpu.region"() ({
      %run_scoped3A = tpu.sem_alloc : memref<!tpu.dma_semaphore, #tpu.memory_space<semaphore_mem>>
      %dma_start3A = arith.constant 0 : i32
      %dma_start3A_23 = arith.constant 0 : i32
      %dma_start3A_24 = tpu.memref_slice %arg10[%dma_start3A, %dma_start3A_23] : memref<128x128xf32, #tpu.memory_space<vmem>> -> memref<120x128xf32, #tpu.memory_space<vmem>>
      %dma_start3A_25 = arith.constant 0 : i32
      %dma_start3A_26 = tpu.memref_slice %arg12[%add3A_14, %dma_start3A_25] : memref<10112x128xf32, #tpu.memory_space<vmem_shared>> -> memref<120x128xf32, #tpu.memory_space<vmem_shared>>
      %dma_start3A_27 = arith.constant 0 : i32
      %dma_start3A_28 = tpu.memref_slice %arg12[%add3A_14, %dma_start3A_27] : memref<10112x128xf32, #tpu.memory_space<vmem_shared>> -> memref<120x128xf32, #tpu.memory_space<vmem_shared>>
      %dma_start3A_29 = arith.constant 0 : i32
      %dma_start3A_30 = arith.constant 0 : i32
      %dma_start3A_31 = tpu.memref_slice %arg10[%dma_start3A_29, %dma_start3A_30] : memref<128x128xf32, #tpu.memory_space<vmem>> -> memref<120x128xf32, #tpu.memory_space<vmem>>
      tpu.enqueue_dma source(%dma_start3A_31 : memref<120x128xf32, #tpu.memory_space<vmem>>) target(%dma_start3A_28 : memref<120x128xf32, #tpu.memory_space<vmem_shared>>) target_semaphore(%run_scoped3A : memref<!tpu.dma_semaphore, #tpu.memory_space<semaphore_mem>>)
      %dma_wait3A = arith.constant 0 : i32
      %dma_wait3A_32 = arith.constant 0 : i32
      %dma_wait3A_33 = tpu.memref_slice %arg10[%dma_wait3A, %dma_wait3A_32] : memref<128x128xf32, #tpu.memory_space<vmem>> -> memref<120x128xf32, #tpu.memory_space<vmem>>
      %dma_wait3A_34 = arith.constant 0 : i32
      %dma_wait3A_35 = tpu.memref_slice %arg12[%add3A_14, %dma_wait3A_34] : memref<10112x128xf32, #tpu.memory_space<vmem_shared>> -> memref<120x128xf32, #tpu.memory_space<vmem_shared>>
      %dma_wait3A_36 = arith.constant 0 : i32
      %dma_wait3A_37 = tpu.memref_slice %arg12[%add3A_14, %dma_wait3A_36] : memref<10112x128xf32, #tpu.memory_space<vmem_shared>> -> memref<120x128xf32, #tpu.memory_space<vmem_shared>>
      %dma_wait3A_38 = arith.constant 0 : i32
      %dma_wait3A_39 = arith.constant 0 : i32
      %dma_wait3A_40 = tpu.memref_slice %arg10[%dma_wait3A_38, %dma_wait3A_39] : memref<128x128xf32, #tpu.memory_space<vmem>> -> memref<120x128xf32, #tpu.memory_space<vmem>>
      tpu.wait_dma2 semaphore(%run_scoped3A : memref<!tpu.dma_semaphore, #tpu.memory_space<semaphore_mem>>) src(%dma_wait3A_40 : memref<120x128xf32, #tpu.memory_space<vmem>>) dst(%dma_wait3A_37 : memref<120x128xf32, #tpu.memory_space<vmem_shared>>)
      tpu.yield
    }) : () -> ()
    %barrier3A = arith.constant 0 : index
    tpu.barrier barrier_id(%barrier3A)
    %eq3A = arith.constant 0 : i32
    %eq3A_15 = arith.cmpi eq, %arg0, %eq3A : i32
    %convert_element_type3A = arith.extui %eq3A_15 : i1 to i32
    %cond3A = arith.constant 0 : i32
    %cond3A_16 = arith.cmpi ne, %convert_element_type3A, %cond3A : i32
    scf.if %cond3A_16 {
      %mul3A_23 = arith.constant 144 : i32
      %mul3A_24 = arith.muli %arg1, %mul3A_23 : i32
      %dma_start3A = arith.constant 0 : i32
      %dma_start3A_25 = arith.constant 0 : i32
      %dma_start3A_26 = tpu.memref_slice %arg6[%dma_start3A, %dma_start3A_25] : memref<24x128xi32, #tpu.memory_space<vmem>> -> memref<24x128xi32, #tpu.memory_space<vmem>>
      %dma_start3A_27 = arith.constant 0 : i32
      %dma_start3A_28 = tpu.memref_slice %arg3[%mul3A_24, %dma_start3A_27] : memref<2560x128xi32, #tpu.memory_space<hbm>> -> memref<24x128xi32, #tpu.memory_space<hbm>>
      %dma_start3A_29 = arith.constant 0 : i32
      %dma_start3A_30 = arith.constant 0 : i32
      %dma_start3A_31 = tpu.memref_slice %arg6[%dma_start3A_29, %dma_start3A_30] : memref<24x128xi32, #tpu.memory_space<vmem>> -> memref<24x128xi32, #tpu.memory_space<vmem>>
      %dma_start3A_32 = arith.constant 0 : i32
      %dma_start3A_33 = tpu.memref_slice %arg3[%mul3A_24, %dma_start3A_32] : memref<2560x128xi32, #tpu.memory_space<hbm>> -> memref<24x128xi32, #tpu.memory_space<hbm>>
      tpu.enqueue_dma source(%dma_start3A_33 : memref<24x128xi32, #tpu.memory_space<hbm>>) target(%dma_start3A_31 : memref<24x128xi32, #tpu.memory_space<vmem>>) target_semaphore(%arg15 : memref<!tpu.dma_semaphore, #tpu.memory_space<semaphore_mem>>)
      %dma_start3A_34 = arith.constant 0 : i32
      %dma_start3A_35 = arith.constant 0 : i32
      %dma_start3A_36 = tpu.memref_slice %arg7[%dma_start3A_34, %dma_start3A_35] : memref<24x128xi32, #tpu.memory_space<vmem>> -> memref<24x128xi32, #tpu.memory_space<vmem>>
      %dma_start3A_37 = arith.constant 0 : i32
      %dma_start3A_38 = tpu.memref_slice %arg4[%mul3A_24, %dma_start3A_37] : memref<2560x128xi32, #tpu.memory_space<hbm>> -> memref<24x128xi32, #tpu.memory_space<hbm>>
      %dma_start3A_39 = arith.constant 0 : i32
      %dma_start3A_40 = arith.constant 0 : i32
      %dma_start3A_41 = tpu.memref_slice %arg7[%dma_start3A_39, %dma_start3A_40] : memref<24x128xi32, #tpu.memory_space<vmem>> -> memref<24x128xi32, #tpu.memory_space<vmem>>
      %dma_start3A_42 = arith.constant 0 : i32
      %dma_start3A_43 = tpu.memref_slice %arg4[%mul3A_24, %dma_start3A_42] : memref<2560x128xi32, #tpu.memory_space<hbm>> -> memref<24x128xi32, #tpu.memory_space<hbm>>
      tpu.enqueue_dma source(%dma_start3A_43 : memref<24x128xi32, #tpu.memory_space<hbm>>) target(%dma_start3A_41 : memref<24x128xi32, #tpu.memory_space<vmem>>) target_semaphore(%arg15 : memref<!tpu.dma_semaphore, #tpu.memory_space<semaphore_mem>>)
      %dma_wait3A = arith.constant 0 : i32
      %dma_wait3A_44 = arith.constant 0 : i32
      %dma_wait3A_45 = tpu.memref_slice %arg6[%dma_wait3A, %dma_wait3A_44] : memref<24x128xi32, #tpu.memory_space<vmem>> -> memref<24x128xi32, #tpu.memory_space<vmem>>
      %dma_wait3A_46 = arith.constant 0 : i32
      %dma_wait3A_47 = tpu.memref_slice %arg3[%mul3A_24, %dma_wait3A_46] : memref<2560x128xi32, #tpu.memory_space<hbm>> -> memref<24x128xi32, #tpu.memory_space<hbm>>
      %dma_wait3A_48 = arith.constant 0 : i32
      %dma_wait3A_49 = arith.constant 0 : i32
      %dma_wait3A_50 = tpu.memref_slice %arg6[%dma_wait3A_48, %dma_wait3A_49] : memref<24x128xi32, #tpu.memory_space<vmem>> -> memref<24x128xi32, #tpu.memory_space<vmem>>
      %dma_wait3A_51 = arith.constant 0 : i32
      %dma_wait3A_52 = tpu.memref_slice %arg3[%mul3A_24, %dma_wait3A_51] : memref<2560x128xi32, #tpu.memory_space<hbm>> -> memref<24x128xi32, #tpu.memory_space<hbm>>
      tpu.wait_dma2 semaphore(%arg15 : memref<!tpu.dma_semaphore, #tpu.memory_space<semaphore_mem>>) src(%dma_wait3A_52 : memref<24x128xi32, #tpu.memory_space<hbm>>) dst(%dma_wait3A_50 : memref<24x128xi32, #tpu.memory_space<vmem>>)
      %dma_wait3A_53 = arith.constant 0 : i32
      %dma_wait3A_54 = arith.constant 0 : i32
      %dma_wait3A_55 = tpu.memref_slice %arg7[%dma_wait3A_53, %dma_wait3A_54] : memref<24x128xi32, #tpu.memory_space<vmem>> -> memref<24x128xi32, #tpu.memory_space<vmem>>
      %dma_wait3A_56 = arith.constant 0 : i32
      %dma_wait3A_57 = tpu.memref_slice %arg4[%mul3A_24, %dma_wait3A_56] : memref<2560x128xi32, #tpu.memory_space<hbm>> -> memref<24x128xi32, #tpu.memory_space<hbm>>
      %dma_wait3A_58 = arith.constant 0 : i32
      %dma_wait3A_59 = arith.constant 0 : i32
      %dma_wait3A_60 = tpu.memref_slice %arg7[%dma_wait3A_58, %dma_wait3A_59] : memref<24x128xi32, #tpu.memory_space<vmem>> -> memref<24x128xi32, #tpu.memory_space<vmem>>
      %dma_wait3A_61 = arith.constant 0 : i32
      %dma_wait3A_62 = tpu.memref_slice %arg4[%mul3A_24, %dma_wait3A_61] : memref<2560x128xi32, #tpu.memory_space<hbm>> -> memref<24x128xi32, #tpu.memory_space<hbm>>
      tpu.wait_dma2 semaphore(%arg15 : memref<!tpu.dma_semaphore, #tpu.memory_space<semaphore_mem>>) src(%dma_wait3A_62 : memref<24x128xi32, #tpu.memory_space<hbm>>) dst(%dma_wait3A_60 : memref<24x128xi32, #tpu.memory_space<vmem>>)
      %add3A_63 = arith.constant 24 : i32
      %add3A_64 = arith.addi %mul3A_24, %add3A_63 : i32
      %dma_start3A_65 = arith.constant 0 : i32
      %dma_start3A_66 = arith.constant 0 : i32
      %dma_start3A_67 = tpu.memref_slice %arg8[%dma_start3A_65, %dma_start3A_66] : memref<24x128xi32, #tpu.memory_space<vmem>> -> memref<24x128xi32, #tpu.memory_space<vmem>>
      %dma_start3A_68 = arith.constant 0 : i32
      %dma_start3A_69 = tpu.memref_slice %arg3[%add3A_64, %dma_start3A_68] : memref<2560x128xi32, #tpu.memory_space<hbm>> -> memref<24x128xi32, #tpu.memory_space<hbm>>
      %dma_start3A_70 = arith.constant 0 : i32
      %dma_start3A_71 = arith.constant 0 : i32
      %dma_start3A_72 = tpu.memref_slice %arg8[%dma_start3A_70, %dma_start3A_71] : memref<24x128xi32, #tpu.memory_space<vmem>> -> memref<24x128xi32, #tpu.memory_space<vmem>>
      %dma_start3A_73 = arith.constant 0 : i32
      %dma_start3A_74 = tpu.memref_slice %arg3[%add3A_64, %dma_start3A_73] : memref<2560x128xi32, #tpu.memory_space<hbm>> -> memref<24x128xi32, #tpu.memory_space<hbm>>
      tpu.enqueue_dma source(%dma_start3A_74 : memref<24x128xi32, #tpu.memory_space<hbm>>) target(%dma_start3A_72 : memref<24x128xi32, #tpu.memory_space<vmem>>) target_semaphore(%arg16 : memref<!tpu.dma_semaphore, #tpu.memory_space<semaphore_mem>>)
      %dma_start3A_75 = arith.constant 0 : i32
      %dma_start3A_76 = arith.constant 0 : i32
      %dma_start3A_77 = tpu.memref_slice %arg9[%dma_start3A_75, %dma_start3A_76] : memref<24x128xi32, #tpu.memory_space<vmem>> -> memref<24x128xi32, #tpu.memory_space<vmem>>
      %dma_start3A_78 = arith.constant 0 : i32
      %dma_start3A_79 = tpu.memref_slice %arg4[%add3A_64, %dma_start3A_78] : memref<2560x128xi32, #tpu.memory_space<hbm>> -> memref<24x128xi32, #tpu.memory_space<hbm>>
      %dma_start3A_80 = arith.constant 0 : i32
      %dma_start3A_81 = arith.constant 0 : i32
      %dma_start3A_82 = tpu.memref_slice %arg9[%dma_start3A_80, %dma_start3A_81] : memref<24x128xi32, #tpu.memory_space<vmem>> -> memref<24x128xi32, #tpu.memory_space<vmem>>
      %dma_start3A_83 = arith.constant 0 : i32
      %dma_start3A_84 = tpu.memref_slice %arg4[%add3A_64, %dma_start3A_83] : memref<2560x128xi32, #tpu.memory_space<hbm>> -> memref<24x128xi32, #tpu.memory_space<hbm>>
      tpu.enqueue_dma source(%dma_start3A_84 : memref<24x128xi32, #tpu.memory_space<hbm>>) target(%dma_start3A_82 : memref<24x128xi32, #tpu.memory_space<vmem>>) target_semaphore(%arg16 : memref<!tpu.dma_semaphore, #tpu.memory_space<semaphore_mem>>)
      %dma_start3A_85 = arith.constant 0 : i32
      %dma_start3A_86 = arith.constant 0 : i32
      %dma_start3A_87 = tpu.memref_slice %arg6[%dma_start3A_85, %dma_start3A_86] : memref<24x128xi32, #tpu.memory_space<vmem>> -> memref<1x128xi32, #tpu.memory_space<vmem>>
      %dma_start3A_88 = tpu.memref_squeeze %dma_start3A_87 : memref<1x128xi32, #tpu.memory_space<vmem>> -> memref<128xi32, #tpu.memory_space<vmem>>
      %dma_start3A_89 = arith.constant 0 : i32
      %dma_start3A_90 = arith.constant 0 : i32
      %dma_start3A_91 = tpu.memref_slice %arg2[%dma_start3A_89, %dma_start3A_90] : memref<10000x128xf32, #tpu.memory_space<hbm>> -> memref<10000x128xf32, #tpu.memory_space<hbm>>
      tpu.enqueue_indirect_dma source(%dma_start3A_91 : memref<10000x128xf32, #tpu.memory_space<hbm>>) target(%arg10 : memref<128x128xf32, #tpu.memory_space<vmem>>) offsets(%dma_start3A_88 : memref<128xi32, #tpu.memory_space<vmem>>) semaphore(%arg13 : memref<!tpu.dma_semaphore, #tpu.memory_space<semaphore_mem>>)
      %scan3A_92 = arith.constant 0 : i32
      %scan3A_93 = arith.constant 0 : i32
      %scan3A_94 = arith.constant 12 : i32
      %scan3A_95 = arith.addi %scan3A_93, %scan3A_94 : i32
      %scan3A_96 = arith.constant 1 : i32
      scf.for %scan3A_351 = %scan3A_93 to %scan3A_95 step %scan3A_96  : i32 {
        %mul3A_352 = arith.constant 2 : i32
        %mul3A_353 = arith.muli %mul3A_352, %scan3A_351 : i32
        %add3A_354 = arith.constant 1 : i32
        %add3A_355 = arith.addi %mul3A_353, %add3A_354 : i32
        %dma_wait3A_356 = arith.constant 0 : i32
        %dma_wait3A_357 = arith.constant 0 : i32
        %dma_wait3A_358 = tpu.memref_slice %arg6[%dma_wait3A_356, %dma_wait3A_357] : memref<24x128xi32, #tpu.memory_space<vmem>> -> memref<1x128xi32, #tpu.memory_space<vmem>>
        %dma_wait3A_359 = tpu.memref_squeeze %dma_wait3A_358 : memref<1x128xi32, #tpu.memory_space<vmem>> -> memref<128xi32, #tpu.memory_space<vmem>>
        %dma_wait3A_360 = arith.constant 0 : i32
        %dma_wait3A_361 = arith.constant 0 : i32
        %dma_wait3A_362 = tpu.memref_slice %arg2[%dma_wait3A_360, %dma_wait3A_361] : memref<10000x128xf32, #tpu.memory_space<hbm>> -> memref<10000x128xf32, #tpu.memory_space<hbm>>
        tpu.wait_indirect_dma semaphore(%arg13 : memref<!tpu.dma_semaphore, #tpu.memory_space<semaphore_mem>>) src(%dma_wait3A_362 : memref<10000x128xf32, #tpu.memory_space<hbm>>) dst(%arg10 : memref<128x128xf32, #tpu.memory_space<vmem>>)
        %dma_start3A_363 = arith.constant 0 : i32
        %dma_start3A_364 = tpu.memref_slice %arg6[%add3A_355, %dma_start3A_363] : memref<24x128xi32, #tpu.memory_space<vmem>> -> memref<1x128xi32, #tpu.memory_space<vmem>>
        %dma_start3A_365 = tpu.memref_squeeze %dma_start3A_364 : memref<1x128xi32, #tpu.memory_space<vmem>> -> memref<128xi32, #tpu.memory_space<vmem>>
        %dma_start3A_366 = arith.constant 0 : i32
        %dma_start3A_367 = arith.constant 0 : i32
        %dma_start3A_368 = tpu.memref_slice %arg2[%dma_start3A_366, %dma_start3A_367] : memref<10000x128xf32, #tpu.memory_space<hbm>> -> memref<10000x128xf32, #tpu.memory_space<hbm>>
        tpu.enqueue_indirect_dma source(%dma_start3A_368 : memref<10000x128xf32, #tpu.memory_space<hbm>>) target(%arg11 : memref<128x128xf32, #tpu.memory_space<vmem>>) offsets(%dma_start3A_365 : memref<128xi32, #tpu.memory_space<vmem>>) semaphore(%arg14 : memref<!tpu.dma_semaphore, #tpu.memory_space<semaphore_mem>>)
        "tpu.region"() ({
          %run_scoped3A = tpu.sem_alloc : memref<!tpu.dma_semaphore, #tpu.memory_space<semaphore_mem>>
          %dma_start3A_382 = arith.constant 0 : i32
          %dma_start3A_383 = tpu.memref_slice %arg7[%mul3A_353, %dma_start3A_382] : memref<24x128xi32, #tpu.memory_space<vmem>> -> memref<1x128xi32, #tpu.memory_space<vmem>>
          %dma_start3A_384 = tpu.memref_squeeze %dma_start3A_383 : memref<1x128xi32, #tpu.memory_space<vmem>> -> memref<128xi32, #tpu.memory_space<vmem>>
          %dma_start3A_385 = arith.constant 0 : i32
          %dma_start3A_386 = arith.constant 0 : i32
          %dma_start3A_387 = tpu.memref_slice %arg12[%dma_start3A_385, %dma_start3A_386] : memref<10112x128xf32, #tpu.memory_space<vmem_shared>> -> memref<10112x128xf32, #tpu.memory_space<vmem_shared>>
          tpu.enqueue_indirect_dma source(%arg10 : memref<128x128xf32, #tpu.memory_space<vmem>>) target(%dma_start3A_387 : memref<10112x128xf32, #tpu.memory_space<vmem_shared>>) offsets(%dma_start3A_384 : memref<128xi32, #tpu.memory_space<vmem>>) semaphore(%run_scoped3A : memref<!tpu.dma_semaphore, #tpu.memory_space<semaphore_mem>>) {add = true}
          %dma_wait3A_388 = arith.constant 0 : i32
          %dma_wait3A_389 = tpu.memref_slice %arg7[%mul3A_353, %dma_wait3A_388] : memref<24x128xi32, #tpu.memory_space<vmem>> -> memref<1x128xi32, #tpu.memory_space<vmem>>
          %dma_wait3A_390 = tpu.memref_squeeze %dma_wait3A_389 : memref<1x128xi32, #tpu.memory_space<vmem>> -> memref<128xi32, #tpu.memory_space<vmem>>
          %dma_wait3A_391 = arith.constant 0 : i32
          %dma_wait3A_392 = arith.constant 0 : i32
          %dma_wait3A_393 = tpu.memref_slice %arg12[%dma_wait3A_391, %dma_wait3A_392] : memref<10112x128xf32, #tpu.memory_space<vmem_shared>> -> memref<10112x128xf32, #tpu.memory_space<vmem_shared>>
          tpu.wait_indirect_dma semaphore(%run_scoped3A : memref<!tpu.dma_semaphore, #tpu.memory_space<semaphore_mem>>) src(%arg10 : memref<128x128xf32, #tpu.memory_space<vmem>>) dst(%dma_wait3A_393 : memref<10112x128xf32, #tpu.memory_space<vmem_shared>>)
          tpu.yield
        }) : () -> ()
        %dma_wait3A_369 = arith.constant 0 : i32
        %dma_wait3A_370 = arith.constant 0 : i32
        %dma_wait3A_371 = tpu.memref_slice %arg6[%dma_wait3A_369, %dma_wait3A_370] : memref<24x128xi32, #tpu.memory_space<vmem>> -> memref<1x128xi32, #tpu.memory_space<vmem>>
        %dma_wait3A_372 = tpu.memref_squeeze %dma_wait3A_371 : memref<1x128xi32, #tpu.memory_space<vmem>> -> memref<128xi32, #tpu.memory_space<vmem>>
        %dma_wait3A_373 = arith.constant 0 : i32
        %dma_wait3A_374 = arith.constant 0 : i32
        %dma_wait3A_375 = tpu.memref_slice %arg2[%dma_wait3A_373, %dma_wait3A_374] : memref<10000x128xf32, #tpu.memory_space<hbm>> -> memref<10000x128xf32, #tpu.memory_space<hbm>>
        tpu.wait_indirect_dma semaphore(%arg14 : memref<!tpu.dma_semaphore, #tpu.memory_space<semaphore_mem>>) src(%dma_wait3A_375 : memref<10000x128xf32, #tpu.memory_space<hbm>>) dst(%arg11 : memref<128x128xf32, #tpu.memory_space<vmem>>)
        %add3A_376 = arith.constant 1 : i32
        %add3A_377 = arith.addi %add3A_355, %add3A_376 : i32
        %lt3A = arith.constant 24 : i32
        %lt3A_378 = arith.cmpi slt, %add3A_377, %lt3A : i32
        %convert_element_type3A_379 = arith.extui %lt3A_378 : i1 to i32
        %cond3A_380 = arith.constant 0 : i32
        %cond3A_381 = arith.cmpi ne, %convert_element_type3A_379, %cond3A_380 : i32
        scf.if %cond3A_381 {
          %add3A_382 = arith.constant 1 : i32
          %add3A_383 = arith.addi %add3A_355, %add3A_382 : i32
          %dma_start3A_384 = arith.constant 0 : i32
          %dma_start3A_385 = tpu.memref_slice %arg6[%add3A_383, %dma_start3A_384] : memref<24x128xi32, #tpu.memory_space<vmem>> -> memref<1x128xi32, #tpu.memory_space<vmem>>
          %dma_start3A_386 = tpu.memref_squeeze %dma_start3A_385 : memref<1x128xi32, #tpu.memory_space<vmem>> -> memref<128xi32, #tpu.memory_space<vmem>>
          %dma_start3A_387 = arith.constant 0 : i32
          %dma_start3A_388 = arith.constant 0 : i32
          %dma_start3A_389 = tpu.memref_slice %arg2[%dma_start3A_387, %dma_start3A_388] : memref<10000x128xf32, #tpu.memory_space<hbm>> -> memref<10000x128xf32, #tpu.memory_space<hbm>>
          tpu.enqueue_indirect_dma source(%dma_start3A_389 : memref<10000x128xf32, #tpu.memory_space<hbm>>) target(%arg10 : memref<128x128xf32, #tpu.memory_space<vmem>>) offsets(%dma_start3A_386 : memref<128xi32, #tpu.memory_space<vmem>>) semaphore(%arg13 : memref<!tpu.dma_semaphore, #tpu.memory_space<semaphore_mem>>)
        } else {
        }
        "tpu.region"() ({
          %run_scoped3A = tpu.sem_alloc : memref<!tpu.dma_semaphore, #tpu.memory_space<semaphore_mem>>
          %dma_start3A_382 = arith.constant 0 : i32
          %dma_start3A_383 = tpu.memref_slice %arg7[%add3A_355, %dma_start3A_382] : memref<24x128xi32, #tpu.memory_space<vmem>> -> memref<1x128xi32, #tpu.memory_space<vmem>>
          %dma_start3A_384 = tpu.memref_squeeze %dma_start3A_383 : memref<1x128xi32, #tpu.memory_space<vmem>> -> memref<128xi32, #tpu.memory_space<vmem>>
          %dma_start3A_385 = arith.constant 0 : i32
          %dma_start3A_386 = arith.constant 0 : i32
          %dma_start3A_387 = tpu.memref_slice %arg12[%dma_start3A_385, %dma_start3A_386] : memref<10112x128xf32, #tpu.memory_space<vmem_shared>> -> memref<10112x128xf32, #tpu.memory_space<vmem_shared>>
          tpu.enqueue_indirect_dma source(%arg11 : memref<128x128xf32, #tpu.memory_space<vmem>>) target(%dma_start3A_387 : memref<10112x128xf32, #tpu.memory_space<vmem_shared>>) offsets(%dma_start3A_384 : memref<128xi32, #tpu.memory_space<vmem>>) semaphore(%run_scoped3A : memref<!tpu.dma_semaphore, #tpu.memory_space<semaphore_mem>>) {add = true}
          %dma_wait3A_388 = arith.constant 0 : i32
          %dma_wait3A_389 = tpu.memref_slice %arg7[%add3A_355, %dma_wait3A_388] : memref<24x128xi32, #tpu.memory_space<vmem>> -> memref<1x128xi32, #tpu.memory_space<vmem>>
          %dma_wait3A_390 = tpu.memref_squeeze %dma_wait3A_389 : memref<1x128xi32, #tpu.memory_space<vmem>> -> memref<128xi32, #tpu.memory_space<vmem>>
          %dma_wait3A_391 = arith.constant 0 : i32
          %dma_wait3A_392 = arith.constant 0 : i32
          %dma_wait3A_393 = tpu.memref_slice %arg12[%dma_wait3A_391, %dma_wait3A_392] : memref<10112x128xf32, #tpu.memory_space<vmem_shared>> -> memref<10112x128xf32, #tpu.memory_space<vmem_shared>>
          tpu.wait_indirect_dma semaphore(%run_scoped3A : memref<!tpu.dma_semaphore, #tpu.memory_space<semaphore_mem>>) src(%arg11 : memref<128x128xf32, #tpu.memory_space<vmem>>) dst(%dma_wait3A_393 : memref<10112x128xf32, #tpu.memory_space<vmem_shared>>)
          tpu.yield
        }) : () -> ()
      }
      %scan3A_97 = arith.constant 12 : i32
      %dma_wait3A_98 = arith.constant 0 : i32
      %dma_wait3A_99 = arith.constant 0 : i32
      %dma_wait3A_100 = tpu.memref_slice %arg8[%dma_wait3A_98, %dma_wait3A_99] : memref<24x128xi32, #tpu.memory_space<vmem>> -> memref<24x128xi32, #tpu.memory_space<vmem>>
      %dma_wait3A_101 = arith.constant 0 : i32
      %dma_wait3A_102 = tpu.memref_slice %arg3[%mul3A_24, %dma_wait3A_101] : memref<2560x128xi32, #tpu.memory_space<hbm>> -> memref<24x128xi32, #tpu.memory_space<hbm>>
      %dma_wait3A_103 = arith.constant 0 : i32
      %dma_wait3A_104 = arith.constant 0 : i32
      %dma_wait3A_105 = tpu.memref_slice %arg8[%dma_wait3A_103, %dma_wait3A_104] : memref<24x128xi32, #tpu.memory_space<vmem>> -> memref<24x128xi32, #tpu.memory_space<vmem>>
      %dma_wait3A_106 = arith.constant 0 : i32
      %dma_wait3A_107 = tpu.memref_slice %arg3[%mul3A_24, %dma_wait3A_106] : memref<2560x128xi32, #tpu.memory_space<hbm>> -> memref<24x128xi32, #tpu.memory_space<hbm>>
      tpu.wait_dma2 semaphore(%arg16 : memref<!tpu.dma_semaphore, #tpu.memory_space<semaphore_mem>>) src(%dma_wait3A_107 : memref<24x128xi32, #tpu.memory_space<hbm>>) dst(%dma_wait3A_105 : memref<24x128xi32, #tpu.memory_space<vmem>>)
      %dma_wait3A_108 = arith.constant 0 : i32
      %dma_wait3A_109 = arith.constant 0 : i32
      %dma_wait3A_110 = tpu.memref_slice %arg9[%dma_wait3A_108, %dma_wait3A_109] : memref<24x128xi32, #tpu.memory_space<vmem>> -> memref<24x128xi32, #tpu.memory_space<vmem>>
      %dma_wait3A_111 = arith.constant 0 : i32
      %dma_wait3A_112 = tpu.memref_slice %arg4[%mul3A_24, %dma_wait3A_111] : memref<2560x128xi32, #tpu.memory_space<hbm>> -> memref<24x128xi32, #tpu.memory_space<hbm>>
      %dma_wait3A_113 = arith.constant 0 : i32
      %dma_wait3A_114 = arith.constant 0 : i32
      %dma_wait3A_115 = tpu.memref_slice %arg9[%dma_wait3A_113, %dma_wait3A_114] : memref<24x128xi32, #tpu.memory_space<vmem>> -> memref<24x128xi32, #tpu.memory_space<vmem>>
      %dma_wait3A_116 = arith.constant 0 : i32
      %dma_wait3A_117 = tpu.memref_slice %arg4[%mul3A_24, %dma_wait3A_116] : memref<2560x128xi32, #tpu.memory_space<hbm>> -> memref<24x128xi32, #tpu.memory_space<hbm>>
      tpu.wait_dma2 semaphore(%arg16 : memref<!tpu.dma_semaphore, #tpu.memory_space<semaphore_mem>>) src(%dma_wait3A_117 : memref<24x128xi32, #tpu.memory_space<hbm>>) dst(%dma_wait3A_115 : memref<24x128xi32, #tpu.memory_space<vmem>>)
      %add3A_118 = arith.constant 48 : i32
      %add3A_119 = arith.addi %mul3A_24, %add3A_118 : i32
      %dma_start3A_120 = arith.constant 0 : i32
      %dma_start3A_121 = arith.constant 0 : i32
      %dma_start3A_122 = tpu.memref_slice %arg6[%dma_start3A_120, %dma_start3A_121] : memref<24x128xi32, #tpu.memory_space<vmem>> -> memref<24x128xi32, #tpu.memory_space<vmem>>
      %dma_start3A_123 = arith.constant 0 : i32
      %dma_start3A_124 = tpu.memref_slice %arg3[%add3A_119, %dma_start3A_123] : memref<2560x128xi32, #tpu.memory_space<hbm>> -> memref<24x128xi32, #tpu.memory_space<hbm>>
      %dma_start3A_125 = arith.constant 0 : i32
      %dma_start3A_126 = arith.constant 0 : i32
      %dma_start3A_127 = tpu.memref_slice %arg6[%dma_start3A_125, %dma_start3A_126] : memref<24x128xi32, #tpu.memory_space<vmem>> -> memref<24x128xi32, #tpu.memory_space<vmem>>
      %dma_start3A_128 = arith.constant 0 : i32
      %dma_start3A_129 = tpu.memref_slice %arg3[%add3A_119, %dma_start3A_128] : memref<2560x128xi32, #tpu.memory_space<hbm>> -> memref<24x128xi32, #tpu.memory_space<hbm>>
      tpu.enqueue_dma source(%dma_start3A_129 : memref<24x128xi32, #tpu.memory_space<hbm>>) target(%dma_start3A_127 : memref<24x128xi32, #tpu.memory_space<vmem>>) target_semaphore(%arg15 : memref<!tpu.dma_semaphore, #tpu.memory_space<semaphore_mem>>)
      %dma_start3A_130 = arith.constant 0 : i32
      %dma_start3A_131 = arith.constant 0 : i32
      %dma_start3A_132 = tpu.memref_slice %arg7[%dma_start3A_130, %dma_start3A_131] : memref<24x128xi32, #tpu.memory_space<vmem>> -> memref<24x128xi32, #tpu.memory_space<vmem>>
      %dma_start3A_133 = arith.constant 0 : i32
      %dma_start3A_134 = tpu.memref_slice %arg4[%add3A_119, %dma_start3A_133] : memref<2560x128xi32, #tpu.memory_space<hbm>> -> memref<24x128xi32, #tpu.memory_space<hbm>>
      %dma_start3A_135 = arith.constant 0 : i32
      %dma_start3A_136 = arith.constant 0 : i32
      %dma_start3A_137 = tpu.memref_slice %arg7[%dma_start3A_135, %dma_start3A_136] : memref<24x128xi32, #tpu.memory_space<vmem>> -> memref<24x128xi32, #tpu.memory_space<vmem>>
      %dma_start3A_138 = arith.constant 0 : i32
      %dma_start3A_139 = tpu.memref_slice %arg4[%add3A_119, %dma_start3A_138] : memref<2560x128xi32, #tpu.memory_space<hbm>> -> memref<24x128xi32, #tpu.memory_space<hbm>>
      tpu.enqueue_dma source(%dma_start3A_139 : memref<24x128xi32, #tpu.memory_space<hbm>>) target(%dma_start3A_137 : memref<24x128xi32, #tpu.memory_space<vmem>>) target_semaphore(%arg15 : memref<!tpu.dma_semaphore, #tpu.memory_space<semaphore_mem>>)
      %dma_start3A_140 = arith.constant 0 : i32
      %dma_start3A_141 = arith.constant 0 : i32
      %dma_start3A_142 = tpu.memref_slice %arg8[%dma_start3A_140, %dma_start3A_141] : memref<24x128xi32, #tpu.memory_space<vmem>> -> memref<1x128xi32, #tpu.memory_space<vmem>>
      %dma_start3A_143 = tpu.memref_squeeze %dma_start3A_142 : memref<1x128xi32, #tpu.memory_space<vmem>> -> memref<128xi32, #tpu.memory_space<vmem>>
      %dma_start3A_144 = arith.constant 0 : i32
      %dma_start3A_145 = arith.constant 0 : i32
      %dma_start3A_146 = tpu.memref_slice %arg2[%dma_start3A_144, %dma_start3A_145] : memref<10000x128xf32, #tpu.memory_space<hbm>> -> memref<10000x128xf32, #tpu.memory_space<hbm>>
      tpu.enqueue_indirect_dma source(%dma_start3A_146 : memref<10000x128xf32, #tpu.memory_space<hbm>>) target(%arg10 : memref<128x128xf32, #tpu.memory_space<vmem>>) offsets(%dma_start3A_143 : memref<128xi32, #tpu.memory_space<vmem>>) semaphore(%arg13 : memref<!tpu.dma_semaphore, #tpu.memory_space<semaphore_mem>>)
      %scan3A_147 = arith.constant 0 : i32
      %scan3A_148 = arith.constant 0 : i32
      %scan3A_149 = arith.constant 12 : i32
      %scan3A_150 = arith.addi %scan3A_148, %scan3A_149 : i32
      %scan3A_151 = arith.constant 1 : i32
      scf.for %scan3A_351 = %scan3A_148 to %scan3A_150 step %scan3A_151  : i32 {
        %mul3A_352 = arith.constant 2 : i32
        %mul3A_353 = arith.muli %mul3A_352, %scan3A_351 : i32
        %add3A_354 = arith.constant 1 : i32
        %add3A_355 = arith.addi %mul3A_353, %add3A_354 : i32
        %dma_wait3A_356 = arith.constant 0 : i32
        %dma_wait3A_357 = arith.constant 0 : i32
        %dma_wait3A_358 = tpu.memref_slice %arg8[%dma_wait3A_356, %dma_wait3A_357] : memref<24x128xi32, #tpu.memory_space<vmem>> -> memref<1x128xi32, #tpu.memory_space<vmem>>
        %dma_wait3A_359 = tpu.memref_squeeze %dma_wait3A_358 : memref<1x128xi32, #tpu.memory_space<vmem>> -> memref<128xi32, #tpu.memory_space<vmem>>
        %dma_wait3A_360 = arith.constant 0 : i32
        %dma_wait3A_361 = arith.constant 0 : i32
        %dma_wait3A_362 = tpu.memref_slice %arg2[%dma_wait3A_360, %dma_wait3A_361] : memref<10000x128xf32, #tpu.memory_space<hbm>> -> memref<10000x128xf32, #tpu.memory_space<hbm>>
        tpu.wait_indirect_dma semaphore(%arg13 : memref<!tpu.dma_semaphore, #tpu.memory_space<semaphore_mem>>) src(%dma_wait3A_362 : memref<10000x128xf32, #tpu.memory_space<hbm>>) dst(%arg10 : memref<128x128xf32, #tpu.memory_space<vmem>>)
        %dma_start3A_363 = arith.constant 0 : i32
        %dma_start3A_364 = tpu.memref_slice %arg8[%add3A_355, %dma_start3A_363] : memref<24x128xi32, #tpu.memory_space<vmem>> -> memref<1x128xi32, #tpu.memory_space<vmem>>
        %dma_start3A_365 = tpu.memref_squeeze %dma_start3A_364 : memref<1x128xi32, #tpu.memory_space<vmem>> -> memref<128xi32, #tpu.memory_space<vmem>>
        %dma_start3A_366 = arith.constant 0 : i32
        %dma_start3A_367 = arith.constant 0 : i32
        %dma_start3A_368 = tpu.memref_slice %arg2[%dma_start3A_366, %dma_start3A_367] : memref<10000x128xf32, #tpu.memory_space<hbm>> -> memref<10000x128xf32, #tpu.memory_space<hbm>>
        tpu.enqueue_indirect_dma source(%dma_start3A_368 : memref<10000x128xf32, #tpu.memory_space<hbm>>) target(%arg11 : memref<128x128xf32, #tpu.memory_space<vmem>>) offsets(%dma_start3A_365 : memref<128xi32, #tpu.memory_space<vmem>>) semaphore(%arg14 : memref<!tpu.dma_semaphore, #tpu.memory_space<semaphore_mem>>)
        "tpu.region"() ({
          %run_scoped3A = tpu.sem_alloc : memref<!tpu.dma_semaphore, #tpu.memory_space<semaphore_mem>>
          %dma_start3A_382 = arith.constant 0 : i32
          %dma_start3A_383 = tpu.memref_slice %arg9[%mul3A_353, %dma_start3A_382] : memref<24x128xi32, #tpu.memory_space<vmem>> -> memref<1x128xi32, #tpu.memory_space<vmem>>
          %dma_start3A_384 = tpu.memref_squeeze %dma_start3A_383 : memref<1x128xi32, #tpu.memory_space<vmem>> -> memref<128xi32, #tpu.memory_space<vmem>>
          %dma_start3A_385 = arith.constant 0 : i32
          %dma_start3A_386 = arith.constant 0 : i32
          %dma_start3A_387 = tpu.memref_slice %arg12[%dma_start3A_385, %dma_start3A_386] : memref<10112x128xf32, #tpu.memory_space<vmem_shared>> -> memref<10112x128xf32, #tpu.memory_space<vmem_shared>>
          tpu.enqueue_indirect_dma source(%arg10 : memref<128x128xf32, #tpu.memory_space<vmem>>) target(%dma_start3A_387 : memref<10112x128xf32, #tpu.memory_space<vmem_shared>>) offsets(%dma_start3A_384 : memref<128xi32, #tpu.memory_space<vmem>>) semaphore(%run_scoped3A : memref<!tpu.dma_semaphore, #tpu.memory_space<semaphore_mem>>) {add = true}
          %dma_wait3A_388 = arith.constant 0 : i32
          %dma_wait3A_389 = tpu.memref_slice %arg9[%mul3A_353, %dma_wait3A_388] : memref<24x128xi32, #tpu.memory_space<vmem>> -> memref<1x128xi32, #tpu.memory_space<vmem>>
          %dma_wait3A_390 = tpu.memref_squeeze %dma_wait3A_389 : memref<1x128xi32, #tpu.memory_space<vmem>> -> memref<128xi32, #tpu.memory_space<vmem>>
          %dma_wait3A_391 = arith.constant 0 : i32
          %dma_wait3A_392 = arith.constant 0 : i32
          %dma_wait3A_393 = tpu.memref_slice %arg12[%dma_wait3A_391, %dma_wait3A_392] : memref<10112x128xf32, #tpu.memory_space<vmem_shared>> -> memref<10112x128xf32, #tpu.memory_space<vmem_shared>>
          tpu.wait_indirect_dma semaphore(%run_scoped3A : memref<!tpu.dma_semaphore, #tpu.memory_space<semaphore_mem>>) src(%arg10 : memref<128x128xf32, #tpu.memory_space<vmem>>) dst(%dma_wait3A_393 : memref<10112x128xf32, #tpu.memory_space<vmem_shared>>)
          tpu.yield
        }) : () -> ()
        %dma_wait3A_369 = arith.constant 0 : i32
        %dma_wait3A_370 = arith.constant 0 : i32
        %dma_wait3A_371 = tpu.memref_slice %arg8[%dma_wait3A_369, %dma_wait3A_370] : memref<24x128xi32, #tpu.memory_space<vmem>> -> memref<1x128xi32, #tpu.memory_space<vmem>>
        %dma_wait3A_372 = tpu.memref_squeeze %dma_wait3A_371 : memref<1x128xi32, #tpu.memory_space<vmem>> -> memref<128xi32, #tpu.memory_space<vmem>>
        %dma_wait3A_373 = arith.constant 0 : i32
        %dma_wait3A_374 = arith.constant 0 : i32
        %dma_wait3A_375 = tpu.memref_slice %arg2[%dma_wait3A_373, %dma_wait3A_374] : memref<10000x128xf32, #tpu.memory_space<hbm>> -> memref<10000x128xf32, #tpu.memory_space<hbm>>
        tpu.wait_indirect_dma semaphore(%arg14 : memref<!tpu.dma_semaphore, #tpu.memory_space<semaphore_mem>>) src(%dma_wait3A_375 : memref<10000x128xf32, #tpu.memory_space<hbm>>) dst(%arg11 : memref<128x128xf32, #tpu.memory_space<vmem>>)
        %add3A_376 = arith.constant 1 : i32
        %add3A_377 = arith.addi %add3A_355, %add3A_376 : i32
        %lt3A = arith.constant 24 : i32
        %lt3A_378 = arith.cmpi slt, %add3A_377, %lt3A : i32
        %convert_element_type3A_379 = arith.extui %lt3A_378 : i1 to i32
        %cond3A_380 = arith.constant 0 : i32
        %cond3A_381 = arith.cmpi ne, %convert_element_type3A_379, %cond3A_380 : i32
        scf.if %cond3A_381 {
          %add3A_382 = arith.constant 1 : i32
          %add3A_383 = arith.addi %add3A_355, %add3A_382 : i32
          %dma_start3A_384 = arith.constant 0 : i32
          %dma_start3A_385 = tpu.memref_slice %arg8[%add3A_383, %dma_start3A_384] : memref<24x128xi32, #tpu.memory_space<vmem>> -> memref<1x128xi32, #tpu.memory_space<vmem>>
          %dma_start3A_386 = tpu.memref_squeeze %dma_start3A_385 : memref<1x128xi32, #tpu.memory_space<vmem>> -> memref<128xi32, #tpu.memory_space<vmem>>
          %dma_start3A_387 = arith.constant 0 : i32
          %dma_start3A_388 = arith.constant 0 : i32
          %dma_start3A_389 = tpu.memref_slice %arg2[%dma_start3A_387, %dma_start3A_388] : memref<10000x128xf32, #tpu.memory_space<hbm>> -> memref<10000x128xf32, #tpu.memory_space<hbm>>
          tpu.enqueue_indirect_dma source(%dma_start3A_389 : memref<10000x128xf32, #tpu.memory_space<hbm>>) target(%arg10 : memref<128x128xf32, #tpu.memory_space<vmem>>) offsets(%dma_start3A_386 : memref<128xi32, #tpu.memory_space<vmem>>) semaphore(%arg13 : memref<!tpu.dma_semaphore, #tpu.memory_space<semaphore_mem>>)
        } else {
        }
        "tpu.region"() ({
          %run_scoped3A = tpu.sem_alloc : memref<!tpu.dma_semaphore, #tpu.memory_space<semaphore_mem>>
          %dma_start3A_382 = arith.constant 0 : i32
          %dma_start3A_383 = tpu.memref_slice %arg9[%add3A_355, %dma_start3A_382] : memref<24x128xi32, #tpu.memory_space<vmem>> -> memref<1x128xi32, #tpu.memory_space<vmem>>
          %dma_start3A_384 = tpu.memref_squeeze %dma_start3A_383 : memref<1x128xi32, #tpu.memory_space<vmem>> -> memref<128xi32, #tpu.memory_space<vmem>>
          %dma_start3A_385 = arith.constant 0 : i32
          %dma_start3A_386 = arith.constant 0 : i32
          %dma_start3A_387 = tpu.memref_slice %arg12[%dma_start3A_385, %dma_start3A_386] : memref<10112x128xf32, #tpu.memory_space<vmem_shared>> -> memref<10112x128xf32, #tpu.memory_space<vmem_shared>>
          tpu.enqueue_indirect_dma source(%arg11 : memref<128x128xf32, #tpu.memory_space<vmem>>) target(%dma_start3A_387 : memref<10112x128xf32, #tpu.memory_space<vmem_shared>>) offsets(%dma_start3A_384 : memref<128xi32, #tpu.memory_space<vmem>>) semaphore(%run_scoped3A : memref<!tpu.dma_semaphore, #tpu.memory_space<semaphore_mem>>) {add = true}
          %dma_wait3A_388 = arith.constant 0 : i32
          %dma_wait3A_389 = tpu.memref_slice %arg9[%add3A_355, %dma_wait3A_388] : memref<24x128xi32, #tpu.memory_space<vmem>> -> memref<1x128xi32, #tpu.memory_space<vmem>>
          %dma_wait3A_390 = tpu.memref_squeeze %dma_wait3A_389 : memref<1x128xi32, #tpu.memory_space<vmem>> -> memref<128xi32, #tpu.memory_space<vmem>>
          %dma_wait3A_391 = arith.constant 0 : i32
          %dma_wait3A_392 = arith.constant 0 : i32
          %dma_wait3A_393 = tpu.memref_slice %arg12[%dma_wait3A_391, %dma_wait3A_392] : memref<10112x128xf32, #tpu.memory_space<vmem_shared>> -> memref<10112x128xf32, #tpu.memory_space<vmem_shared>>
          tpu.wait_indirect_dma semaphore(%run_scoped3A : memref<!tpu.dma_semaphore, #tpu.memory_space<semaphore_mem>>) src(%arg11 : memref<128x128xf32, #tpu.memory_space<vmem>>) dst(%dma_wait3A_393 : memref<10112x128xf32, #tpu.memory_space<vmem_shared>>)
          tpu.yield
        }) : () -> ()
      }
      %scan3A_152 = arith.constant 12 : i32
      %dma_wait3A_153 = arith.constant 0 : i32
      %dma_wait3A_154 = arith.constant 0 : i32
      %dma_wait3A_155 = tpu.memref_slice %arg6[%dma_wait3A_153, %dma_wait3A_154] : memref<24x128xi32, #tpu.memory_space<vmem>> -> memref<24x128xi32, #tpu.memory_space<vmem>>
      %dma_wait3A_156 = arith.constant 0 : i32
      %dma_wait3A_157 = tpu.memref_slice %arg3[%mul3A_24, %dma_wait3A_156] : memref<2560x128xi32, #tpu.memory_space<hbm>> -> memref<24x128xi32, #tpu.memory_space<hbm>>
      %dma_wait3A_158 = arith.constant 0 : i32
      %dma_wait3A_159 = arith.constant 0 : i32
      %dma_wait3A_160 = tpu.memref_slice %arg6[%dma_wait3A_158, %dma_wait3A_159] : memref<24x128xi32, #tpu.memory_space<vmem>> -> memref<24x128xi32, #tpu.memory_space<vmem>>
      %dma_wait3A_161 = arith.constant 0 : i32
      %dma_wait3A_162 = tpu.memref_slice %arg3[%mul3A_24, %dma_wait3A_161] : memref<2560x128xi32, #tpu.memory_space<hbm>> -> memref<24x128xi32, #tpu.memory_space<hbm>>
      tpu.wait_dma2 semaphore(%arg15 : memref<!tpu.dma_semaphore, #tpu.memory_space<semaphore_mem>>) src(%dma_wait3A_162 : memref<24x128xi32, #tpu.memory_space<hbm>>) dst(%dma_wait3A_160 : memref<24x128xi32, #tpu.memory_space<vmem>>)
      %dma_wait3A_163 = arith.constant 0 : i32
      %dma_wait3A_164 = arith.constant 0 : i32
      %dma_wait3A_165 = tpu.memref_slice %arg7[%dma_wait3A_163, %dma_wait3A_164] : memref<24x128xi32, #tpu.memory_space<vmem>> -> memref<24x128xi32, #tpu.memory_space<vmem>>
      %dma_wait3A_166 = arith.constant 0 : i32
      %dma_wait3A_167 = tpu.memref_slice %arg4[%mul3A_24, %dma_wait3A_166] : memref<2560x128xi32, #tpu.memory_space<hbm>> -> memref<24x128xi32, #tpu.memory_space<hbm>>
      %dma_wait3A_168 = arith.constant 0 : i32
      %dma_wait3A_169 = arith.constant 0 : i32
      %dma_wait3A_170 = tpu.memref_slice %arg7[%dma_wait3A_168, %dma_wait3A_169] : memref<24x128xi32, #tpu.memory_space<vmem>> -> memref<24x128xi32, #tpu.memory_space<vmem>>
      %dma_wait3A_171 = arith.constant 0 : i32
      %dma_wait3A_172 = tpu.memref_slice %arg4[%mul3A_24, %dma_wait3A_171] : memref<2560x128xi32, #tpu.memory_space<hbm>> -> memref<24x128xi32, #tpu.memory_space<hbm>>
      tpu.wait_dma2 semaphore(%arg15 : memref<!tpu.dma_semaphore, #tpu.memory_space<semaphore_mem>>) src(%dma_wait3A_172 : memref<24x128xi32, #tpu.memory_space<hbm>>) dst(%dma_wait3A_170 : memref<24x128xi32, #tpu.memory_space<vmem>>)
      %add3A_173 = arith.constant 72 : i32
      %add3A_174 = arith.addi %mul3A_24, %add3A_173 : i32
      %dma_start3A_175 = arith.constant 0 : i32
      %dma_start3A_176 = arith.constant 0 : i32
      %dma_start3A_177 = tpu.memref_slice %arg8[%dma_start3A_175, %dma_start3A_176] : memref<24x128xi32, #tpu.memory_space<vmem>> -> memref<24x128xi32, #tpu.memory_space<vmem>>
      %dma_start3A_178 = arith.constant 0 : i32
      %dma_start3A_179 = tpu.memref_slice %arg3[%add3A_174, %dma_start3A_178] : memref<2560x128xi32, #tpu.memory_space<hbm>> -> memref<24x128xi32, #tpu.memory_space<hbm>>
      %dma_start3A_180 = arith.constant 0 : i32
      %dma_start3A_181 = arith.constant 0 : i32
      %dma_start3A_182 = tpu.memref_slice %arg8[%dma_start3A_180, %dma_start3A_181] : memref<24x128xi32, #tpu.memory_space<vmem>> -> memref<24x128xi32, #tpu.memory_space<vmem>>
      %dma_start3A_183 = arith.constant 0 : i32
      %dma_start3A_184 = tpu.memref_slice %arg3[%add3A_174, %dma_start3A_183] : memref<2560x128xi32, #tpu.memory_space<hbm>> -> memref<24x128xi32, #tpu.memory_space<hbm>>
      tpu.enqueue_dma source(%dma_start3A_184 : memref<24x128xi32, #tpu.memory_space<hbm>>) target(%dma_start3A_182 : memref<24x128xi32, #tpu.memory_space<vmem>>) target_semaphore(%arg16 : memref<!tpu.dma_semaphore, #tpu.memory_space<semaphore_mem>>)
      %dma_start3A_185 = arith.constant 0 : i32
      %dma_start3A_186 = arith.constant 0 : i32
      %dma_start3A_187 = tpu.memref_slice %arg9[%dma_start3A_185, %dma_start3A_186] : memref<24x128xi32, #tpu.memory_space<vmem>> -> memref<24x128xi32, #tpu.memory_space<vmem>>
      %dma_start3A_188 = arith.constant 0 : i32
      %dma_start3A_189 = tpu.memref_slice %arg4[%add3A_174, %dma_start3A_188] : memref<2560x128xi32, #tpu.memory_space<hbm>> -> memref<24x128xi32, #tpu.memory_space<hbm>>
      %dma_start3A_190 = arith.constant 0 : i32
      %dma_start3A_191 = arith.constant 0 : i32
      %dma_start3A_192 = tpu.memref_slice %arg9[%dma_start3A_190, %dma_start3A_191] : memref<24x128xi32, #tpu.memory_space<vmem>> -> memref<24x128xi32, #tpu.memory_space<vmem>>
      %dma_start3A_193 = arith.constant 0 : i32
      %dma_start3A_194 = tpu.memref_slice %arg4[%add3A_174, %dma_start3A_193] : memref<2560x128xi32, #tpu.memory_space<hbm>> -> memref<24x128xi32, #tpu.memory_space<hbm>>
      tpu.enqueue_dma source(%dma_start3A_194 : memref<24x128xi32, #tpu.memory_space<hbm>>) target(%dma_start3A_192 : memref<24x128xi32, #tpu.memory_space<vmem>>) target_semaphore(%arg16 : memref<!tpu.dma_semaphore, #tpu.memory_space<semaphore_mem>>)
      %dma_start3A_195 = arith.constant 0 : i32
      %dma_start3A_196 = arith.constant 0 : i32
      %dma_start3A_197 = tpu.memref_slice %arg6[%dma_start3A_195, %dma_start3A_196] : memref<24x128xi32, #tpu.memory_space<vmem>> -> memref<1x128xi32, #tpu.memory_space<vmem>>
      %dma_start3A_198 = tpu.memref_squeeze %dma_start3A_197 : memref<1x128xi32, #tpu.memory_space<vmem>> -> memref<128xi32, #tpu.memory_space<vmem>>
      %dma_start3A_199 = arith.constant 0 : i32
      %dma_start3A_200 = arith.constant 0 : i32
      %dma_start3A_201 = tpu.memref_slice %arg2[%dma_start3A_199, %dma_start3A_200] : memref<10000x128xf32, #tpu.memory_space<hbm>> -> memref<10000x128xf32, #tpu.memory_space<hbm>>
      tpu.enqueue_indirect_dma source(%dma_start3A_201 : memref<10000x128xf32, #tpu.memory_space<hbm>>) target(%arg10 : memref<128x128xf32, #tpu.memory_space<vmem>>) offsets(%dma_start3A_198 : memref<128xi32, #tpu.memory_space<vmem>>) semaphore(%arg13 : memref<!tpu.dma_semaphore, #tpu.memory_space<semaphore_mem>>)
      %scan3A_202 = arith.constant 0 : i32
      %scan3A_203 = arith.constant 0 : i32
      %scan3A_204 = arith.constant 12 : i32
      %scan3A_205 = arith.addi %scan3A_203, %scan3A_204 : i32
      %scan3A_206 = arith.constant 1 : i32
      scf.for %scan3A_351 = %scan3A_203 to %scan3A_205 step %scan3A_206  : i32 {
        %mul3A_352 = arith.constant 2 : i32
        %mul3A_353 = arith.muli %mul3A_352, %scan3A_351 : i32
        %add3A_354 = arith.constant 1 : i32
        %add3A_355 = arith.addi %mul3A_353, %add3A_354 : i32
        %dma_wait3A_356 = arith.constant 0 : i32
        %dma_wait3A_357 = arith.constant 0 : i32
        %dma_wait3A_358 = tpu.memref_slice %arg6[%dma_wait3A_356, %dma_wait3A_357] : memref<24x128xi32, #tpu.memory_space<vmem>> -> memref<1x128xi32, #tpu.memory_space<vmem>>
        %dma_wait3A_359 = tpu.memref_squeeze %dma_wait3A_358 : memref<1x128xi32, #tpu.memory_space<vmem>> -> memref<128xi32, #tpu.memory_space<vmem>>
        %dma_wait3A_360 = arith.constant 0 : i32
        %dma_wait3A_361 = arith.constant 0 : i32
        %dma_wait3A_362 = tpu.memref_slice %arg2[%dma_wait3A_360, %dma_wait3A_361] : memref<10000x128xf32, #tpu.memory_space<hbm>> -> memref<10000x128xf32, #tpu.memory_space<hbm>>
        tpu.wait_indirect_dma semaphore(%arg13 : memref<!tpu.dma_semaphore, #tpu.memory_space<semaphore_mem>>) src(%dma_wait3A_362 : memref<10000x128xf32, #tpu.memory_space<hbm>>) dst(%arg10 : memref<128x128xf32, #tpu.memory_space<vmem>>)
        %dma_start3A_363 = arith.constant 0 : i32
        %dma_start3A_364 = tpu.memref_slice %arg6[%add3A_355, %dma_start3A_363] : memref<24x128xi32, #tpu.memory_space<vmem>> -> memref<1x128xi32, #tpu.memory_space<vmem>>
        %dma_start3A_365 = tpu.memref_squeeze %dma_start3A_364 : memref<1x128xi32, #tpu.memory_space<vmem>> -> memref<128xi32, #tpu.memory_space<vmem>>
        %dma_start3A_366 = arith.constant 0 : i32
        %dma_start3A_367 = arith.constant 0 : i32
        %dma_start3A_368 = tpu.memref_slice %arg2[%dma_start3A_366, %dma_start3A_367] : memref<10000x128xf32, #tpu.memory_space<hbm>> -> memref<10000x128xf32, #tpu.memory_space<hbm>>
        tpu.enqueue_indirect_dma source(%dma_start3A_368 : memref<10000x128xf32, #tpu.memory_space<hbm>>) target(%arg11 : memref<128x128xf32, #tpu.memory_space<vmem>>) offsets(%dma_start3A_365 : memref<128xi32, #tpu.memory_space<vmem>>) semaphore(%arg14 : memref<!tpu.dma_semaphore, #tpu.memory_space<semaphore_mem>>)
        "tpu.region"() ({
          %run_scoped3A = tpu.sem_alloc : memref<!tpu.dma_semaphore, #tpu.memory_space<semaphore_mem>>
          %dma_start3A_382 = arith.constant 0 : i32
          %dma_start3A_383 = tpu.memref_slice %arg7[%mul3A_353, %dma_start3A_382] : memref<24x128xi32, #tpu.memory_space<vmem>> -> memref<1x128xi32, #tpu.memory_space<vmem>>
          %dma_start3A_384 = tpu.memref_squeeze %dma_start3A_383 : memref<1x128xi32, #tpu.memory_space<vmem>> -> memref<128xi32, #tpu.memory_space<vmem>>
          %dma_start3A_385 = arith.constant 0 : i32
          %dma_start3A_386 = arith.constant 0 : i32
          %dma_start3A_387 = tpu.memref_slice %arg12[%dma_start3A_385, %dma_start3A_386] : memref<10112x128xf32, #tpu.memory_space<vmem_shared>> -> memref<10112x128xf32, #tpu.memory_space<vmem_shared>>
          tpu.enqueue_indirect_dma source(%arg10 : memref<128x128xf32, #tpu.memory_space<vmem>>) target(%dma_start3A_387 : memref<10112x128xf32, #tpu.memory_space<vmem_shared>>) offsets(%dma_start3A_384 : memref<128xi32, #tpu.memory_space<vmem>>) semaphore(%run_scoped3A : memref<!tpu.dma_semaphore, #tpu.memory_space<semaphore_mem>>) {add = true}
          %dma_wait3A_388 = arith.constant 0 : i32
          %dma_wait3A_389 = tpu.memref_slice %arg7[%mul3A_353, %dma_wait3A_388] : memref<24x128xi32, #tpu.memory_space<vmem>> -> memref<1x128xi32, #tpu.memory_space<vmem>>
          %dma_wait3A_390 = tpu.memref_squeeze %dma_wait3A_389 : memref<1x128xi32, #tpu.memory_space<vmem>> -> memref<128xi32, #tpu.memory_space<vmem>>
          %dma_wait3A_391 = arith.constant 0 : i32
          %dma_wait3A_392 = arith.constant 0 : i32
          %dma_wait3A_393 = tpu.memref_slice %arg12[%dma_wait3A_391, %dma_wait3A_392] : memref<10112x128xf32, #tpu.memory_space<vmem_shared>> -> memref<10112x128xf32, #tpu.memory_space<vmem_shared>>
          tpu.wait_indirect_dma semaphore(%run_scoped3A : memref<!tpu.dma_semaphore, #tpu.memory_space<semaphore_mem>>) src(%arg10 : memref<128x128xf32, #tpu.memory_space<vmem>>) dst(%dma_wait3A_393 : memref<10112x128xf32, #tpu.memory_space<vmem_shared>>)
          tpu.yield
        }) : () -> ()
        %dma_wait3A_369 = arith.constant 0 : i32
        %dma_wait3A_370 = arith.constant 0 : i32
        %dma_wait3A_371 = tpu.memref_slice %arg6[%dma_wait3A_369, %dma_wait3A_370] : memref<24x128xi32, #tpu.memory_space<vmem>> -> memref<1x128xi32, #tpu.memory_space<vmem>>
        %dma_wait3A_372 = tpu.memref_squeeze %dma_wait3A_371 : memref<1x128xi32, #tpu.memory_space<vmem>> -> memref<128xi32, #tpu.memory_space<vmem>>
        %dma_wait3A_373 = arith.constant 0 : i32
        %dma_wait3A_374 = arith.constant 0 : i32
        %dma_wait3A_375 = tpu.memref_slice %arg2[%dma_wait3A_373, %dma_wait3A_374] : memref<10000x128xf32, #tpu.memory_space<hbm>> -> memref<10000x128xf32, #tpu.memory_space<hbm>>
        tpu.wait_indirect_dma semaphore(%arg14 : memref<!tpu.dma_semaphore, #tpu.memory_space<semaphore_mem>>) src(%dma_wait3A_375 : memref<10000x128xf32, #tpu.memory_space<hbm>>) dst(%arg11 : memref<128x128xf32, #tpu.memory_space<vmem>>)
        %add3A_376 = arith.constant 1 : i32
        %add3A_377 = arith.addi %add3A_355, %add3A_376 : i32
        %lt3A = arith.constant 24 : i32
        %lt3A_378 = arith.cmpi slt, %add3A_377, %lt3A : i32
        %convert_element_type3A_379 = arith.extui %lt3A_378 : i1 to i32
        %cond3A_380 = arith.constant 0 : i32
        %cond3A_381 = arith.cmpi ne, %convert_element_type3A_379, %cond3A_380 : i32
        scf.if %cond3A_381 {
          %add3A_382 = arith.constant 1 : i32
          %add3A_383 = arith.addi %add3A_355, %add3A_382 : i32
          %dma_start3A_384 = arith.constant 0 : i32
          %dma_start3A_385 = tpu.memref_slice %arg6[%add3A_383, %dma_start3A_384] : memref<24x128xi32, #tpu.memory_space<vmem>> -> memref<1x128xi32, #tpu.memory_space<vmem>>
          %dma_start3A_386 = tpu.memref_squeeze %dma_start3A_385 : memref<1x128xi32, #tpu.memory_space<vmem>> -> memref<128xi32, #tpu.memory_space<vmem>>
          %dma_start3A_387 = arith.constant 0 : i32
          %dma_start3A_388 = arith.constant 0 : i32
          %dma_start3A_389 = tpu.memref_slice %arg2[%dma_start3A_387, %dma_start3A_388] : memref<10000x128xf32, #tpu.memory_space<hbm>> -> memref<10000x128xf32, #tpu.memory_space<hbm>>
          tpu.enqueue_indirect_dma source(%dma_start3A_389 : memref<10000x128xf32, #tpu.memory_space<hbm>>) target(%arg10 : memref<128x128xf32, #tpu.memory_space<vmem>>) offsets(%dma_start3A_386 : memref<128xi32, #tpu.memory_space<vmem>>) semaphore(%arg13 : memref<!tpu.dma_semaphore, #tpu.memory_space<semaphore_mem>>)
        } else {
        }
        "tpu.region"() ({
          %run_scoped3A = tpu.sem_alloc : memref<!tpu.dma_semaphore, #tpu.memory_space<semaphore_mem>>
          %dma_start3A_382 = arith.constant 0 : i32
          %dma_start3A_383 = tpu.memref_slice %arg7[%add3A_355, %dma_start3A_382] : memref<24x128xi32, #tpu.memory_space<vmem>> -> memref<1x128xi32, #tpu.memory_space<vmem>>
          %dma_start3A_384 = tpu.memref_squeeze %dma_start3A_383 : memref<1x128xi32, #tpu.memory_space<vmem>> -> memref<128xi32, #tpu.memory_space<vmem>>
          %dma_start3A_385 = arith.constant 0 : i32
          %dma_start3A_386 = arith.constant 0 : i32
          %dma_start3A_387 = tpu.memref_slice %arg12[%dma_start3A_385, %dma_start3A_386] : memref<10112x128xf32, #tpu.memory_space<vmem_shared>> -> memref<10112x128xf32, #tpu.memory_space<vmem_shared>>
          tpu.enqueue_indirect_dma source(%arg11 : memref<128x128xf32, #tpu.memory_space<vmem>>) target(%dma_start3A_387 : memref<10112x128xf32, #tpu.memory_space<vmem_shared>>) offsets(%dma_start3A_384 : memref<128xi32, #tpu.memory_space<vmem>>) semaphore(%run_scoped3A : memref<!tpu.dma_semaphore, #tpu.memory_space<semaphore_mem>>) {add = true}
          %dma_wait3A_388 = arith.constant 0 : i32
          %dma_wait3A_389 = tpu.memref_slice %arg7[%add3A_355, %dma_wait3A_388] : memref<24x128xi32, #tpu.memory_space<vmem>> -> memref<1x128xi32, #tpu.memory_space<vmem>>
          %dma_wait3A_390 = tpu.memref_squeeze %dma_wait3A_389 : memref<1x128xi32, #tpu.memory_space<vmem>> -> memref<128xi32, #tpu.memory_space<vmem>>
          %dma_wait3A_391 = arith.constant 0 : i32
          %dma_wait3A_392 = arith.constant 0 : i32
          %dma_wait3A_393 = tpu.memref_slice %arg12[%dma_wait3A_391, %dma_wait3A_392] : memref<10112x128xf32, #tpu.memory_space<vmem_shared>> -> memref<10112x128xf32, #tpu.memory_space<vmem_shared>>
          tpu.wait_indirect_dma semaphore(%run_scoped3A : memref<!tpu.dma_semaphore, #tpu.memory_space<semaphore_mem>>) src(%arg11 : memref<128x128xf32, #tpu.memory_space<vmem>>) dst(%dma_wait3A_393 : memref<10112x128xf32, #tpu.memory_space<vmem_shared>>)
          tpu.yield
        }) : () -> ()
      }
      %scan3A_207 = arith.constant 12 : i32
      %dma_wait3A_208 = arith.constant 0 : i32
      %dma_wait3A_209 = arith.constant 0 : i32
      %dma_wait3A_210 = tpu.memref_slice %arg8[%dma_wait3A_208, %dma_wait3A_209] : memref<24x128xi32, #tpu.memory_space<vmem>> -> memref<24x128xi32, #tpu.memory_space<vmem>>
      %dma_wait3A_211 = arith.constant 0 : i32
      %dma_wait3A_212 = tpu.memref_slice %arg3[%mul3A_24, %dma_wait3A_211] : memref<2560x128xi32, #tpu.memory_space<hbm>> -> memref<24x128xi32, #tpu.memory_space<hbm>>
      %dma_wait3A_213 = arith.constant 0 : i32
      %dma_wait3A_214 = arith.constant 0 : i32
      %dma_wait3A_215 = tpu.memref_slice %arg8[%dma_wait3A_213, %dma_wait3A_214] : memref<24x128xi32, #tpu.memory_space<vmem>> -> memref<24x128xi32, #tpu.memory_space<vmem>>
      %dma_wait3A_216 = arith.constant 0 : i32
      %dma_wait3A_217 = tpu.memref_slice %arg3[%mul3A_24, %dma_wait3A_216] : memref<2560x128xi32, #tpu.memory_space<hbm>> -> memref<24x128xi32, #tpu.memory_space<hbm>>
      tpu.wait_dma2 semaphore(%arg16 : memref<!tpu.dma_semaphore, #tpu.memory_space<semaphore_mem>>) src(%dma_wait3A_217 : memref<24x128xi32, #tpu.memory_space<hbm>>) dst(%dma_wait3A_215 : memref<24x128xi32, #tpu.memory_space<vmem>>)
      %dma_wait3A_218 = arith.constant 0 : i32
      %dma_wait3A_219 = arith.constant 0 : i32
      %dma_wait3A_220 = tpu.memref_slice %arg9[%dma_wait3A_218, %dma_wait3A_219] : memref<24x128xi32, #tpu.memory_space<vmem>> -> memref<24x128xi32, #tpu.memory_space<vmem>>
      %dma_wait3A_221 = arith.constant 0 : i32
      %dma_wait3A_222 = tpu.memref_slice %arg4[%mul3A_24, %dma_wait3A_221] : memref<2560x128xi32, #tpu.memory_space<hbm>> -> memref<24x128xi32, #tpu.memory_space<hbm>>
      %dma_wait3A_223 = arith.constant 0 : i32
      %dma_wait3A_224 = arith.constant 0 : i32
      %dma_wait3A_225 = tpu.memref_slice %arg9[%dma_wait3A_223, %dma_wait3A_224] : memref<24x128xi32, #tpu.memory_space<vmem>> -> memref<24x128xi32, #tpu.memory_space<vmem>>
      %dma_wait3A_226 = arith.constant 0 : i32
      %dma_wait3A_227 = tpu.memref_slice %arg4[%mul3A_24, %dma_wait3A_226] : memref<2560x128xi32, #tpu.memory_space<hbm>> -> memref<24x128xi32, #tpu.memory_space<hbm>>
      tpu.wait_dma2 semaphore(%arg16 : memref<!tpu.dma_semaphore, #tpu.memory_space<semaphore_mem>>) src(%dma_wait3A_227 : memref<24x128xi32, #tpu.memory_space<hbm>>) dst(%dma_wait3A_225 : memref<24x128xi32, #tpu.memory_space<vmem>>)
      %add3A_228 = arith.constant 96 : i32
      %add3A_229 = arith.addi %mul3A_24, %add3A_228 : i32
      %dma_start3A_230 = arith.constant 0 : i32
      %dma_start3A_231 = arith.constant 0 : i32
      %dma_start3A_232 = tpu.memref_slice %arg6[%dma_start3A_230, %dma_start3A_231] : memref<24x128xi32, #tpu.memory_space<vmem>> -> memref<24x128xi32, #tpu.memory_space<vmem>>
      %dma_start3A_233 = arith.constant 0 : i32
      %dma_start3A_234 = tpu.memref_slice %arg3[%add3A_229, %dma_start3A_233] : memref<2560x128xi32, #tpu.memory_space<hbm>> -> memref<24x128xi32, #tpu.memory_space<hbm>>
      %dma_start3A_235 = arith.constant 0 : i32
      %dma_start3A_236 = arith.constant 0 : i32
      %dma_start3A_237 = tpu.memref_slice %arg6[%dma_start3A_235, %dma_start3A_236] : memref<24x128xi32, #tpu.memory_space<vmem>> -> memref<24x128xi32, #tpu.memory_space<vmem>>
      %dma_start3A_238 = arith.constant 0 : i32
      %dma_start3A_239 = tpu.memref_slice %arg3[%add3A_229, %dma_start3A_238] : memref<2560x128xi32, #tpu.memory_space<hbm>> -> memref<24x128xi32, #tpu.memory_space<hbm>>
      tpu.enqueue_dma source(%dma_start3A_239 : memref<24x128xi32, #tpu.memory_space<hbm>>) target(%dma_start3A_237 : memref<24x128xi32, #tpu.memory_space<vmem>>) target_semaphore(%arg15 : memref<!tpu.dma_semaphore, #tpu.memory_space<semaphore_mem>>)
      %dma_start3A_240 = arith.constant 0 : i32
      %dma_start3A_241 = arith.constant 0 : i32
      %dma_start3A_242 = tpu.memref_slice %arg7[%dma_start3A_240, %dma_start3A_241] : memref<24x128xi32, #tpu.memory_space<vmem>> -> memref<24x128xi32, #tpu.memory_space<vmem>>
      %dma_start3A_243 = arith.constant 0 : i32
      %dma_start3A_244 = tpu.memref_slice %arg4[%add3A_229, %dma_start3A_243] : memref<2560x128xi32, #tpu.memory_space<hbm>> -> memref<24x128xi32, #tpu.memory_space<hbm>>
      %dma_start3A_245 = arith.constant 0 : i32
      %dma_start3A_246 = arith.constant 0 : i32
      %dma_start3A_247 = tpu.memref_slice %arg7[%dma_start3A_245, %dma_start3A_246] : memref<24x128xi32, #tpu.memory_space<vmem>> -> memref<24x128xi32, #tpu.memory_space<vmem>>
      %dma_start3A_248 = arith.constant 0 : i32
      %dma_start3A_249 = tpu.memref_slice %arg4[%add3A_229, %dma_start3A_248] : memref<2560x128xi32, #tpu.memory_space<hbm>> -> memref<24x128xi32, #tpu.memory_space<hbm>>
      tpu.enqueue_dma source(%dma_start3A_249 : memref<24x128xi32, #tpu.memory_space<hbm>>) target(%dma_start3A_247 : memref<24x128xi32, #tpu.memory_space<vmem>>) target_semaphore(%arg15 : memref<!tpu.dma_semaphore, #tpu.memory_space<semaphore_mem>>)
      %dma_start3A_250 = arith.constant 0 : i32
      %dma_start3A_251 = arith.constant 0 : i32
      %dma_start3A_252 = tpu.memref_slice %arg8[%dma_start3A_250, %dma_start3A_251] : memref<24x128xi32, #tpu.memory_space<vmem>> -> memref<1x128xi32, #tpu.memory_space<vmem>>
      %dma_start3A_253 = tpu.memref_squeeze %dma_start3A_252 : memref<1x128xi32, #tpu.memory_space<vmem>> -> memref<128xi32, #tpu.memory_space<vmem>>
      %dma_start3A_254 = arith.constant 0 : i32
      %dma_start3A_255 = arith.constant 0 : i32
      %dma_start3A_256 = tpu.memref_slice %arg2[%dma_start3A_254, %dma_start3A_255] : memref<10000x128xf32, #tpu.memory_space<hbm>> -> memref<10000x128xf32, #tpu.memory_space<hbm>>
      tpu.enqueue_indirect_dma source(%dma_start3A_256 : memref<10000x128xf32, #tpu.memory_space<hbm>>) target(%arg10 : memref<128x128xf32, #tpu.memory_space<vmem>>) offsets(%dma_start3A_253 : memref<128xi32, #tpu.memory_space<vmem>>) semaphore(%arg13 : memref<!tpu.dma_semaphore, #tpu.memory_space<semaphore_mem>>)
      %scan3A_257 = arith.constant 0 : i32
      %scan3A_258 = arith.constant 0 : i32
      %scan3A_259 = arith.constant 12 : i32
      %scan3A_260 = arith.addi %scan3A_258, %scan3A_259 : i32
      %scan3A_261 = arith.constant 1 : i32
      scf.for %scan3A_351 = %scan3A_258 to %scan3A_260 step %scan3A_261  : i32 {
        %mul3A_352 = arith.constant 2 : i32
        %mul3A_353 = arith.muli %mul3A_352, %scan3A_351 : i32
        %add3A_354 = arith.constant 1 : i32
        %add3A_355 = arith.addi %mul3A_353, %add3A_354 : i32
        %dma_wait3A_356 = arith.constant 0 : i32
        %dma_wait3A_357 = arith.constant 0 : i32
        %dma_wait3A_358 = tpu.memref_slice %arg8[%dma_wait3A_356, %dma_wait3A_357] : memref<24x128xi32, #tpu.memory_space<vmem>> -> memref<1x128xi32, #tpu.memory_space<vmem>>
        %dma_wait3A_359 = tpu.memref_squeeze %dma_wait3A_358 : memref<1x128xi32, #tpu.memory_space<vmem>> -> memref<128xi32, #tpu.memory_space<vmem>>
        %dma_wait3A_360 = arith.constant 0 : i32
        %dma_wait3A_361 = arith.constant 0 : i32
        %dma_wait3A_362 = tpu.memref_slice %arg2[%dma_wait3A_360, %dma_wait3A_361] : memref<10000x128xf32, #tpu.memory_space<hbm>> -> memref<10000x128xf32, #tpu.memory_space<hbm>>
        tpu.wait_indirect_dma semaphore(%arg13 : memref<!tpu.dma_semaphore, #tpu.memory_space<semaphore_mem>>) src(%dma_wait3A_362 : memref<10000x128xf32, #tpu.memory_space<hbm>>) dst(%arg10 : memref<128x128xf32, #tpu.memory_space<vmem>>)
        %dma_start3A_363 = arith.constant 0 : i32
        %dma_start3A_364 = tpu.memref_slice %arg8[%add3A_355, %dma_start3A_363] : memref<24x128xi32, #tpu.memory_space<vmem>> -> memref<1x128xi32, #tpu.memory_space<vmem>>
        %dma_start3A_365 = tpu.memref_squeeze %dma_start3A_364 : memref<1x128xi32, #tpu.memory_space<vmem>> -> memref<128xi32, #tpu.memory_space<vmem>>
        %dma_start3A_366 = arith.constant 0 : i32
        %dma_start3A_367 = arith.constant 0 : i32
        %dma_start3A_368 = tpu.memref_slice %arg2[%dma_start3A_366, %dma_start3A_367] : memref<10000x128xf32, #tpu.memory_space<hbm>> -> memref<10000x128xf32, #tpu.memory_space<hbm>>
        tpu.enqueue_indirect_dma source(%dma_start3A_368 : memref<10000x128xf32, #tpu.memory_space<hbm>>) target(%arg11 : memref<128x128xf32, #tpu.memory_space<vmem>>) offsets(%dma_start3A_365 : memref<128xi32, #tpu.memory_space<vmem>>) semaphore(%arg14 : memref<!tpu.dma_semaphore, #tpu.memory_space<semaphore_mem>>)
        "tpu.region"() ({
          %run_scoped3A = tpu.sem_alloc : memref<!tpu.dma_semaphore, #tpu.memory_space<semaphore_mem>>
          %dma_start3A_382 = arith.constant 0 : i32
          %dma_start3A_383 = tpu.memref_slice %arg9[%mul3A_353, %dma_start3A_382] : memref<24x128xi32, #tpu.memory_space<vmem>> -> memref<1x128xi32, #tpu.memory_space<vmem>>
          %dma_start3A_384 = tpu.memref_squeeze %dma_start3A_383 : memref<1x128xi32, #tpu.memory_space<vmem>> -> memref<128xi32, #tpu.memory_space<vmem>>
          %dma_start3A_385 = arith.constant 0 : i32
          %dma_start3A_386 = arith.constant 0 : i32
          %dma_start3A_387 = tpu.memref_slice %arg12[%dma_start3A_385, %dma_start3A_386] : memref<10112x128xf32, #tpu.memory_space<vmem_shared>> -> memref<10112x128xf32, #tpu.memory_space<vmem_shared>>
          tpu.enqueue_indirect_dma source(%arg10 : memref<128x128xf32, #tpu.memory_space<vmem>>) target(%dma_start3A_387 : memref<10112x128xf32, #tpu.memory_space<vmem_shared>>) offsets(%dma_start3A_384 : memref<128xi32, #tpu.memory_space<vmem>>) semaphore(%run_scoped3A : memref<!tpu.dma_semaphore, #tpu.memory_space<semaphore_mem>>) {add = true}
          %dma_wait3A_388 = arith.constant 0 : i32
          %dma_wait3A_389 = tpu.memref_slice %arg9[%mul3A_353, %dma_wait3A_388] : memref<24x128xi32, #tpu.memory_space<vmem>> -> memref<1x128xi32, #tpu.memory_space<vmem>>
          %dma_wait3A_390 = tpu.memref_squeeze %dma_wait3A_389 : memref<1x128xi32, #tpu.memory_space<vmem>> -> memref<128xi32, #tpu.memory_space<vmem>>
          %dma_wait3A_391 = arith.constant 0 : i32
          %dma_wait3A_392 = arith.constant 0 : i32
          %dma_wait3A_393 = tpu.memref_slice %arg12[%dma_wait3A_391, %dma_wait3A_392] : memref<10112x128xf32, #tpu.memory_space<vmem_shared>> -> memref<10112x128xf32, #tpu.memory_space<vmem_shared>>
          tpu.wait_indirect_dma semaphore(%run_scoped3A : memref<!tpu.dma_semaphore, #tpu.memory_space<semaphore_mem>>) src(%arg10 : memref<128x128xf32, #tpu.memory_space<vmem>>) dst(%dma_wait3A_393 : memref<10112x128xf32, #tpu.memory_space<vmem_shared>>)
          tpu.yield
        }) : () -> ()
        %dma_wait3A_369 = arith.constant 0 : i32
        %dma_wait3A_370 = arith.constant 0 : i32
        %dma_wait3A_371 = tpu.memref_slice %arg8[%dma_wait3A_369, %dma_wait3A_370] : memref<24x128xi32, #tpu.memory_space<vmem>> -> memref<1x128xi32, #tpu.memory_space<vmem>>
        %dma_wait3A_372 = tpu.memref_squeeze %dma_wait3A_371 : memref<1x128xi32, #tpu.memory_space<vmem>> -> memref<128xi32, #tpu.memory_space<vmem>>
        %dma_wait3A_373 = arith.constant 0 : i32
        %dma_wait3A_374 = arith.constant 0 : i32
        %dma_wait3A_375 = tpu.memref_slice %arg2[%dma_wait3A_373, %dma_wait3A_374] : memref<10000x128xf32, #tpu.memory_space<hbm>> -> memref<10000x128xf32, #tpu.memory_space<hbm>>
        tpu.wait_indirect_dma semaphore(%arg14 : memref<!tpu.dma_semaphore, #tpu.memory_space<semaphore_mem>>) src(%dma_wait3A_375 : memref<10000x128xf32, #tpu.memory_space<hbm>>) dst(%arg11 : memref<128x128xf32, #tpu.memory_space<vmem>>)
        %add3A_376 = arith.constant 1 : i32
        %add3A_377 = arith.addi %add3A_355, %add3A_376 : i32
        %lt3A = arith.constant 24 : i32
        %lt3A_378 = arith.cmpi slt, %add3A_377, %lt3A : i32
        %convert_element_type3A_379 = arith.extui %lt3A_378 : i1 to i32
        %cond3A_380 = arith.constant 0 : i32
        %cond3A_381 = arith.cmpi ne, %convert_element_type3A_379, %cond3A_380 : i32
        scf.if %cond3A_381 {
          %add3A_382 = arith.constant 1 : i32
          %add3A_383 = arith.addi %add3A_355, %add3A_382 : i32
          %dma_start3A_384 = arith.constant 0 : i32
          %dma_start3A_385 = tpu.memref_slice %arg8[%add3A_383, %dma_start3A_384] : memref<24x128xi32, #tpu.memory_space<vmem>> -> memref<1x128xi32, #tpu.memory_space<vmem>>
          %dma_start3A_386 = tpu.memref_squeeze %dma_start3A_385 : memref<1x128xi32, #tpu.memory_space<vmem>> -> memref<128xi32, #tpu.memory_space<vmem>>
          %dma_start3A_387 = arith.constant 0 : i32
          %dma_start3A_388 = arith.constant 0 : i32
          %dma_start3A_389 = tpu.memref_slice %arg2[%dma_start3A_387, %dma_start3A_388] : memref<10000x128xf32, #tpu.memory_space<hbm>> -> memref<10000x128xf32, #tpu.memory_space<hbm>>
          tpu.enqueue_indirect_dma source(%dma_start3A_389 : memref<10000x128xf32, #tpu.memory_space<hbm>>) target(%arg10 : memref<128x128xf32, #tpu.memory_space<vmem>>) offsets(%dma_start3A_386 : memref<128xi32, #tpu.memory_space<vmem>>) semaphore(%arg13 : memref<!tpu.dma_semaphore, #tpu.memory_space<semaphore_mem>>)
        } else {
        }
        "tpu.region"() ({
          %run_scoped3A = tpu.sem_alloc : memref<!tpu.dma_semaphore, #tpu.memory_space<semaphore_mem>>
          %dma_start3A_382 = arith.constant 0 : i32
          %dma_start3A_383 = tpu.memref_slice %arg9[%add3A_355, %dma_start3A_382] : memref<24x128xi32, #tpu.memory_space<vmem>> -> memref<1x128xi32, #tpu.memory_space<vmem>>
          %dma_start3A_384 = tpu.memref_squeeze %dma_start3A_383 : memref<1x128xi32, #tpu.memory_space<vmem>> -> memref<128xi32, #tpu.memory_space<vmem>>
          %dma_start3A_385 = arith.constant 0 : i32
          %dma_start3A_386 = arith.constant 0 : i32
          %dma_start3A_387 = tpu.memref_slice %arg12[%dma_start3A_385, %dma_start3A_386] : memref<10112x128xf32, #tpu.memory_space<vmem_shared>> -> memref<10112x128xf32, #tpu.memory_space<vmem_shared>>
          tpu.enqueue_indirect_dma source(%arg11 : memref<128x128xf32, #tpu.memory_space<vmem>>) target(%dma_start3A_387 : memref<10112x128xf32, #tpu.memory_space<vmem_shared>>) offsets(%dma_start3A_384 : memref<128xi32, #tpu.memory_space<vmem>>) semaphore(%run_scoped3A : memref<!tpu.dma_semaphore, #tpu.memory_space<semaphore_mem>>) {add = true}
          %dma_wait3A_388 = arith.constant 0 : i32
          %dma_wait3A_389 = tpu.memref_slice %arg9[%add3A_355, %dma_wait3A_388] : memref<24x128xi32, #tpu.memory_space<vmem>> -> memref<1x128xi32, #tpu.memory_space<vmem>>
          %dma_wait3A_390 = tpu.memref_squeeze %dma_wait3A_389 : memref<1x128xi32, #tpu.memory_space<vmem>> -> memref<128xi32, #tpu.memory_space<vmem>>
          %dma_wait3A_391 = arith.constant 0 : i32
          %dma_wait3A_392 = arith.constant 0 : i32
          %dma_wait3A_393 = tpu.memref_slice %arg12[%dma_wait3A_391, %dma_wait3A_392] : memref<10112x128xf32, #tpu.memory_space<vmem_shared>> -> memref<10112x128xf32, #tpu.memory_space<vmem_shared>>
          tpu.wait_indirect_dma semaphore(%run_scoped3A : memref<!tpu.dma_semaphore, #tpu.memory_space<semaphore_mem>>) src(%arg11 : memref<128x128xf32, #tpu.memory_space<vmem>>) dst(%dma_wait3A_393 : memref<10112x128xf32, #tpu.memory_space<vmem_shared>>)
          tpu.yield
        }) : () -> ()
      }
      %scan3A_262 = arith.constant 12 : i32
      %dma_wait3A_263 = arith.constant 0 : i32
      %dma_wait3A_264 = arith.constant 0 : i32
      %dma_wait3A_265 = tpu.memref_slice %arg6[%dma_wait3A_263, %dma_wait3A_264] : memref<24x128xi32, #tpu.memory_space<vmem>> -> memref<24x128xi32, #tpu.memory_space<vmem>>
      %dma_wait3A_266 = arith.constant 0 : i32
      %dma_wait3A_267 = tpu.memref_slice %arg3[%mul3A_24, %dma_wait3A_266] : memref<2560x128xi32, #tpu.memory_space<hbm>> -> memref<24x128xi32, #tpu.memory_space<hbm>>
      %dma_wait3A_268 = arith.constant 0 : i32
      %dma_wait3A_269 = arith.constant 0 : i32
      %dma_wait3A_270 = tpu.memref_slice %arg6[%dma_wait3A_268, %dma_wait3A_269] : memref<24x128xi32, #tpu.memory_space<vmem>> -> memref<24x128xi32, #tpu.memory_space<vmem>>
      %dma_wait3A_271 = arith.constant 0 : i32
      %dma_wait3A_272 = tpu.memref_slice %arg3[%mul3A_24, %dma_wait3A_271] : memref<2560x128xi32, #tpu.memory_space<hbm>> -> memref<24x128xi32, #tpu.memory_space<hbm>>
      tpu.wait_dma2 semaphore(%arg15 : memref<!tpu.dma_semaphore, #tpu.memory_space<semaphore_mem>>) src(%dma_wait3A_272 : memref<24x128xi32, #tpu.memory_space<hbm>>) dst(%dma_wait3A_270 : memref<24x128xi32, #tpu.memory_space<vmem>>)
      %dma_wait3A_273 = arith.constant 0 : i32
      %dma_wait3A_274 = arith.constant 0 : i32
      %dma_wait3A_275 = tpu.memref_slice %arg7[%dma_wait3A_273, %dma_wait3A_274] : memref<24x128xi32, #tpu.memory_space<vmem>> -> memref<24x128xi32, #tpu.memory_space<vmem>>
      %dma_wait3A_276 = arith.constant 0 : i32
      %dma_wait3A_277 = tpu.memref_slice %arg4[%mul3A_24, %dma_wait3A_276] : memref<2560x128xi32, #tpu.memory_space<hbm>> -> memref<24x128xi32, #tpu.memory_space<hbm>>
      %dma_wait3A_278 = arith.constant 0 : i32
      %dma_wait3A_279 = arith.constant 0 : i32
      %dma_wait3A_280 = tpu.memref_slice %arg7[%dma_wait3A_278, %dma_wait3A_279] : memref<24x128xi32, #tpu.memory_space<vmem>> -> memref<24x128xi32, #tpu.memory_space<vmem>>
      %dma_wait3A_281 = arith.constant 0 : i32
      %dma_wait3A_282 = tpu.memref_slice %arg4[%mul3A_24, %dma_wait3A_281] : memref<2560x128xi32, #tpu.memory_space<hbm>> -> memref<24x128xi32, #tpu.memory_space<hbm>>
      tpu.wait_dma2 semaphore(%arg15 : memref<!tpu.dma_semaphore, #tpu.memory_space<semaphore_mem>>) src(%dma_wait3A_282 : memref<24x128xi32, #tpu.memory_space<hbm>>) dst(%dma_wait3A_280 : memref<24x128xi32, #tpu.memory_space<vmem>>)
      %add3A_283 = arith.constant 120 : i32
      %add3A_284 = arith.addi %mul3A_24, %add3A_283 : i32
      %dma_start3A_285 = arith.constant 0 : i32
      %dma_start3A_286 = arith.constant 0 : i32
      %dma_start3A_287 = tpu.memref_slice %arg8[%dma_start3A_285, %dma_start3A_286] : memref<24x128xi32, #tpu.memory_space<vmem>> -> memref<24x128xi32, #tpu.memory_space<vmem>>
      %dma_start3A_288 = arith.constant 0 : i32
      %dma_start3A_289 = tpu.memref_slice %arg3[%add3A_284, %dma_start3A_288] : memref<2560x128xi32, #tpu.memory_space<hbm>> -> memref<24x128xi32, #tpu.memory_space<hbm>>
      %dma_start3A_290 = arith.constant 0 : i32
      %dma_start3A_291 = arith.constant 0 : i32
      %dma_start3A_292 = tpu.memref_slice %arg8[%dma_start3A_290, %dma_start3A_291] : memref<24x128xi32, #tpu.memory_space<vmem>> -> memref<24x128xi32, #tpu.memory_space<vmem>>
      %dma_start3A_293 = arith.constant 0 : i32
      %dma_start3A_294 = tpu.memref_slice %arg3[%add3A_284, %dma_start3A_293] : memref<2560x128xi32, #tpu.memory_space<hbm>> -> memref<24x128xi32, #tpu.memory_space<hbm>>
      tpu.enqueue_dma source(%dma_start3A_294 : memref<24x128xi32, #tpu.memory_space<hbm>>) target(%dma_start3A_292 : memref<24x128xi32, #tpu.memory_space<vmem>>) target_semaphore(%arg16 : memref<!tpu.dma_semaphore, #tpu.memory_space<semaphore_mem>>)
      %dma_start3A_295 = arith.constant 0 : i32
      %dma_start3A_296 = arith.constant 0 : i32
      %dma_start3A_297 = tpu.memref_slice %arg9[%dma_start3A_295, %dma_start3A_296] : memref<24x128xi32, #tpu.memory_space<vmem>> -> memref<24x128xi32, #tpu.memory_space<vmem>>
      %dma_start3A_298 = arith.constant 0 : i32
      %dma_start3A_299 = tpu.memref_slice %arg4[%add3A_284, %dma_start3A_298] : memref<2560x128xi32, #tpu.memory_space<hbm>> -> memref<24x128xi32, #tpu.memory_space<hbm>>
      %dma_start3A_300 = arith.constant 0 : i32
      %dma_start3A_301 = arith.constant 0 : i32
      %dma_start3A_302 = tpu.memref_slice %arg9[%dma_start3A_300, %dma_start3A_301] : memref<24x128xi32, #tpu.memory_space<vmem>> -> memref<24x128xi32, #tpu.memory_space<vmem>>
      %dma_start3A_303 = arith.constant 0 : i32
      %dma_start3A_304 = tpu.memref_slice %arg4[%add3A_284, %dma_start3A_303] : memref<2560x128xi32, #tpu.memory_space<hbm>> -> memref<24x128xi32, #tpu.memory_space<hbm>>
      tpu.enqueue_dma source(%dma_start3A_304 : memref<24x128xi32, #tpu.memory_space<hbm>>) target(%dma_start3A_302 : memref<24x128xi32, #tpu.memory_space<vmem>>) target_semaphore(%arg16 : memref<!tpu.dma_semaphore, #tpu.memory_space<semaphore_mem>>)
      %dma_start3A_305 = arith.constant 0 : i32
      %dma_start3A_306 = arith.constant 0 : i32
      %dma_start3A_307 = tpu.memref_slice %arg6[%dma_start3A_305, %dma_start3A_306] : memref<24x128xi32, #tpu.memory_space<vmem>> -> memref<1x128xi32, #tpu.memory_space<vmem>>
      %dma_start3A_308 = tpu.memref_squeeze %dma_start3A_307 : memref<1x128xi32, #tpu.memory_space<vmem>> -> memref<128xi32, #tpu.memory_space<vmem>>
      %dma_start3A_309 = arith.constant 0 : i32
      %dma_start3A_310 = arith.constant 0 : i32
      %dma_start3A_311 = tpu.memref_slice %arg2[%dma_start3A_309, %dma_start3A_310] : memref<10000x128xf32, #tpu.memory_space<hbm>> -> memref<10000x128xf32, #tpu.memory_space<hbm>>
      tpu.enqueue_indirect_dma source(%dma_start3A_311 : memref<10000x128xf32, #tpu.memory_space<hbm>>) target(%arg10 : memref<128x128xf32, #tpu.memory_space<vmem>>) offsets(%dma_start3A_308 : memref<128xi32, #tpu.memory_space<vmem>>) semaphore(%arg13 : memref<!tpu.dma_semaphore, #tpu.memory_space<semaphore_mem>>)
      %scan3A_312 = arith.constant 0 : i32
      %scan3A_313 = arith.constant 0 : i32
      %scan3A_314 = arith.constant 12 : i32
      %scan3A_315 = arith.addi %scan3A_313, %scan3A_314 : i32
      %scan3A_316 = arith.constant 1 : i32
      scf.for %scan3A_351 = %scan3A_313 to %scan3A_315 step %scan3A_316  : i32 {
        %mul3A_352 = arith.constant 2 : i32
        %mul3A_353 = arith.muli %mul3A_352, %scan3A_351 : i32
        %add3A_354 = arith.constant 1 : i32
        %add3A_355 = arith.addi %mul3A_353, %add3A_354 : i32
        %dma_wait3A_356 = arith.constant 0 : i32
        %dma_wait3A_357 = arith.constant 0 : i32
        %dma_wait3A_358 = tpu.memref_slice %arg6[%dma_wait3A_356, %dma_wait3A_357] : memref<24x128xi32, #tpu.memory_space<vmem>> -> memref<1x128xi32, #tpu.memory_space<vmem>>
        %dma_wait3A_359 = tpu.memref_squeeze %dma_wait3A_358 : memref<1x128xi32, #tpu.memory_space<vmem>> -> memref<128xi32, #tpu.memory_space<vmem>>
        %dma_wait3A_360 = arith.constant 0 : i32
        %dma_wait3A_361 = arith.constant 0 : i32
        %dma_wait3A_362 = tpu.memref_slice %arg2[%dma_wait3A_360, %dma_wait3A_361] : memref<10000x128xf32, #tpu.memory_space<hbm>> -> memref<10000x128xf32, #tpu.memory_space<hbm>>
        tpu.wait_indirect_dma semaphore(%arg13 : memref<!tpu.dma_semaphore, #tpu.memory_space<semaphore_mem>>) src(%dma_wait3A_362 : memref<10000x128xf32, #tpu.memory_space<hbm>>) dst(%arg10 : memref<128x128xf32, #tpu.memory_space<vmem>>)
        %dma_start3A_363 = arith.constant 0 : i32
        %dma_start3A_364 = tpu.memref_slice %arg6[%add3A_355, %dma_start3A_363] : memref<24x128xi32, #tpu.memory_space<vmem>> -> memref<1x128xi32, #tpu.memory_space<vmem>>
        %dma_start3A_365 = tpu.memref_squeeze %dma_start3A_364 : memref<1x128xi32, #tpu.memory_space<vmem>> -> memref<128xi32, #tpu.memory_space<vmem>>
        %dma_start3A_366 = arith.constant 0 : i32
        %dma_start3A_367 = arith.constant 0 : i32
        %dma_start3A_368 = tpu.memref_slice %arg2[%dma_start3A_366, %dma_start3A_367] : memref<10000x128xf32, #tpu.memory_space<hbm>> -> memref<10000x128xf32, #tpu.memory_space<hbm>>
        tpu.enqueue_indirect_dma source(%dma_start3A_368 : memref<10000x128xf32, #tpu.memory_space<hbm>>) target(%arg11 : memref<128x128xf32, #tpu.memory_space<vmem>>) offsets(%dma_start3A_365 : memref<128xi32, #tpu.memory_space<vmem>>) semaphore(%arg14 : memref<!tpu.dma_semaphore, #tpu.memory_space<semaphore_mem>>)
        "tpu.region"() ({
          %run_scoped3A = tpu.sem_alloc : memref<!tpu.dma_semaphore, #tpu.memory_space<semaphore_mem>>
          %dma_start3A_382 = arith.constant 0 : i32
          %dma_start3A_383 = tpu.memref_slice %arg7[%mul3A_353, %dma_start3A_382] : memref<24x128xi32, #tpu.memory_space<vmem>> -> memref<1x128xi32, #tpu.memory_space<vmem>>
          %dma_start3A_384 = tpu.memref_squeeze %dma_start3A_383 : memref<1x128xi32, #tpu.memory_space<vmem>> -> memref<128xi32, #tpu.memory_space<vmem>>
          %dma_start3A_385 = arith.constant 0 : i32
          %dma_start3A_386 = arith.constant 0 : i32
          %dma_start3A_387 = tpu.memref_slice %arg12[%dma_start3A_385, %dma_start3A_386] : memref<10112x128xf32, #tpu.memory_space<vmem_shared>> -> memref<10112x128xf32, #tpu.memory_space<vmem_shared>>
          tpu.enqueue_indirect_dma source(%arg10 : memref<128x128xf32, #tpu.memory_space<vmem>>) target(%dma_start3A_387 : memref<10112x128xf32, #tpu.memory_space<vmem_shared>>) offsets(%dma_start3A_384 : memref<128xi32, #tpu.memory_space<vmem>>) semaphore(%run_scoped3A : memref<!tpu.dma_semaphore, #tpu.memory_space<semaphore_mem>>) {add = true}
          %dma_wait3A_388 = arith.constant 0 : i32
          %dma_wait3A_389 = tpu.memref_slice %arg7[%mul3A_353, %dma_wait3A_388] : memref<24x128xi32, #tpu.memory_space<vmem>> -> memref<1x128xi32, #tpu.memory_space<vmem>>
          %dma_wait3A_390 = tpu.memref_squeeze %dma_wait3A_389 : memref<1x128xi32, #tpu.memory_space<vmem>> -> memref<128xi32, #tpu.memory_space<vmem>>
          %dma_wait3A_391 = arith.constant 0 : i32
          %dma_wait3A_392 = arith.constant 0 : i32
          %dma_wait3A_393 = tpu.memref_slice %arg12[%dma_wait3A_391, %dma_wait3A_392] : memref<10112x128xf32, #tpu.memory_space<vmem_shared>> -> memref<10112x128xf32, #tpu.memory_space<vmem_shared>>
          tpu.wait_indirect_dma semaphore(%run_scoped3A : memref<!tpu.dma_semaphore, #tpu.memory_space<semaphore_mem>>) src(%arg10 : memref<128x128xf32, #tpu.memory_space<vmem>>) dst(%dma_wait3A_393 : memref<10112x128xf32, #tpu.memory_space<vmem_shared>>)
          tpu.yield
        }) : () -> ()
        %dma_wait3A_369 = arith.constant 0 : i32
        %dma_wait3A_370 = arith.constant 0 : i32
        %dma_wait3A_371 = tpu.memref_slice %arg6[%dma_wait3A_369, %dma_wait3A_370] : memref<24x128xi32, #tpu.memory_space<vmem>> -> memref<1x128xi32, #tpu.memory_space<vmem>>
        %dma_wait3A_372 = tpu.memref_squeeze %dma_wait3A_371 : memref<1x128xi32, #tpu.memory_space<vmem>> -> memref<128xi32, #tpu.memory_space<vmem>>
        %dma_wait3A_373 = arith.constant 0 : i32
        %dma_wait3A_374 = arith.constant 0 : i32
        %dma_wait3A_375 = tpu.memref_slice %arg2[%dma_wait3A_373, %dma_wait3A_374] : memref<10000x128xf32, #tpu.memory_space<hbm>> -> memref<10000x128xf32, #tpu.memory_space<hbm>>
        tpu.wait_indirect_dma semaphore(%arg14 : memref<!tpu.dma_semaphore, #tpu.memory_space<semaphore_mem>>) src(%dma_wait3A_375 : memref<10000x128xf32, #tpu.memory_space<hbm>>) dst(%arg11 : memref<128x128xf32, #tpu.memory_space<vmem>>)
        %add3A_376 = arith.constant 1 : i32
        %add3A_377 = arith.addi %add3A_355, %add3A_376 : i32
        %lt3A = arith.constant 24 : i32
        %lt3A_378 = arith.cmpi slt, %add3A_377, %lt3A : i32
        %convert_element_type3A_379 = arith.extui %lt3A_378 : i1 to i32
        %cond3A_380 = arith.constant 0 : i32
        %cond3A_381 = arith.cmpi ne, %convert_element_type3A_379, %cond3A_380 : i32
        scf.if %cond3A_381 {
          %add3A_382 = arith.constant 1 : i32
          %add3A_383 = arith.addi %add3A_355, %add3A_382 : i32
          %dma_start3A_384 = arith.constant 0 : i32
          %dma_start3A_385 = tpu.memref_slice %arg6[%add3A_383, %dma_start3A_384] : memref<24x128xi32, #tpu.memory_space<vmem>> -> memref<1x128xi32, #tpu.memory_space<vmem>>
          %dma_start3A_386 = tpu.memref_squeeze %dma_start3A_385 : memref<1x128xi32, #tpu.memory_space<vmem>> -> memref<128xi32, #tpu.memory_space<vmem>>
          %dma_start3A_387 = arith.constant 0 : i32
          %dma_start3A_388 = arith.constant 0 : i32
          %dma_start3A_389 = tpu.memref_slice %arg2[%dma_start3A_387, %dma_start3A_388] : memref<10000x128xf32, #tpu.memory_space<hbm>> -> memref<10000x128xf32, #tpu.memory_space<hbm>>
          tpu.enqueue_indirect_dma source(%dma_start3A_389 : memref<10000x128xf32, #tpu.memory_space<hbm>>) target(%arg10 : memref<128x128xf32, #tpu.memory_space<vmem>>) offsets(%dma_start3A_386 : memref<128xi32, #tpu.memory_space<vmem>>) semaphore(%arg13 : memref<!tpu.dma_semaphore, #tpu.memory_space<semaphore_mem>>)
        } else {
        }
        "tpu.region"() ({
          %run_scoped3A = tpu.sem_alloc : memref<!tpu.dma_semaphore, #tpu.memory_space<semaphore_mem>>
          %dma_start3A_382 = arith.constant 0 : i32
          %dma_start3A_383 = tpu.memref_slice %arg7[%add3A_355, %dma_start3A_382] : memref<24x128xi32, #tpu.memory_space<vmem>> -> memref<1x128xi32, #tpu.memory_space<vmem>>
          %dma_start3A_384 = tpu.memref_squeeze %dma_start3A_383 : memref<1x128xi32, #tpu.memory_space<vmem>> -> memref<128xi32, #tpu.memory_space<vmem>>
          %dma_start3A_385 = arith.constant 0 : i32
          %dma_start3A_386 = arith.constant 0 : i32
          %dma_start3A_387 = tpu.memref_slice %arg12[%dma_start3A_385, %dma_start3A_386] : memref<10112x128xf32, #tpu.memory_space<vmem_shared>> -> memref<10112x128xf32, #tpu.memory_space<vmem_shared>>
          tpu.enqueue_indirect_dma source(%arg11 : memref<128x128xf32, #tpu.memory_space<vmem>>) target(%dma_start3A_387 : memref<10112x128xf32, #tpu.memory_space<vmem_shared>>) offsets(%dma_start3A_384 : memref<128xi32, #tpu.memory_space<vmem>>) semaphore(%run_scoped3A : memref<!tpu.dma_semaphore, #tpu.memory_space<semaphore_mem>>) {add = true}
          %dma_wait3A_388 = arith.constant 0 : i32
          %dma_wait3A_389 = tpu.memref_slice %arg7[%add3A_355, %dma_wait3A_388] : memref<24x128xi32, #tpu.memory_space<vmem>> -> memref<1x128xi32, #tpu.memory_space<vmem>>
          %dma_wait3A_390 = tpu.memref_squeeze %dma_wait3A_389 : memref<1x128xi32, #tpu.memory_space<vmem>> -> memref<128xi32, #tpu.memory_space<vmem>>
          %dma_wait3A_391 = arith.constant 0 : i32
          %dma_wait3A_392 = arith.constant 0 : i32
          %dma_wait3A_393 = tpu.memref_slice %arg12[%dma_wait3A_391, %dma_wait3A_392] : memref<10112x128xf32, #tpu.memory_space<vmem_shared>> -> memref<10112x128xf32, #tpu.memory_space<vmem_shared>>
          tpu.wait_indirect_dma semaphore(%run_scoped3A : memref<!tpu.dma_semaphore, #tpu.memory_space<semaphore_mem>>) src(%arg11 : memref<128x128xf32, #tpu.memory_space<vmem>>) dst(%dma_wait3A_393 : memref<10112x128xf32, #tpu.memory_space<vmem_shared>>)
          tpu.yield
        }) : () -> ()
      }
      %scan3A_317 = arith.constant 12 : i32
      %dma_wait3A_318 = arith.constant 0 : i32
      %dma_wait3A_319 = arith.constant 0 : i32
      %dma_wait3A_320 = tpu.memref_slice %arg8[%dma_wait3A_318, %dma_wait3A_319] : memref<24x128xi32, #tpu.memory_space<vmem>> -> memref<24x128xi32, #tpu.memory_space<vmem>>
      %dma_wait3A_321 = arith.constant 0 : i32
      %dma_wait3A_322 = tpu.memref_slice %arg3[%mul3A_24, %dma_wait3A_321] : memref<2560x128xi32, #tpu.memory_space<hbm>> -> memref<24x128xi32, #tpu.memory_space<hbm>>
      %dma_wait3A_323 = arith.constant 0 : i32
      %dma_wait3A_324 = arith.constant 0 : i32
      %dma_wait3A_325 = tpu.memref_slice %arg8[%dma_wait3A_323, %dma_wait3A_324] : memref<24x128xi32, #tpu.memory_space<vmem>> -> memref<24x128xi32, #tpu.memory_space<vmem>>
      %dma_wait3A_326 = arith.constant 0 : i32
      %dma_wait3A_327 = tpu.memref_slice %arg3[%mul3A_24, %dma_wait3A_326] : memref<2560x128xi32, #tpu.memory_space<hbm>> -> memref<24x128xi32, #tpu.memory_space<hbm>>
      tpu.wait_dma2 semaphore(%arg16 : memref<!tpu.dma_semaphore, #tpu.memory_space<semaphore_mem>>) src(%dma_wait3A_327 : memref<24x128xi32, #tpu.memory_space<hbm>>) dst(%dma_wait3A_325 : memref<24x128xi32, #tpu.memory_space<vmem>>)
      %dma_wait3A_328 = arith.constant 0 : i32
      %dma_wait3A_329 = arith.constant 0 : i32
      %dma_wait3A_330 = tpu.memref_slice %arg9[%dma_wait3A_328, %dma_wait3A_329] : memref<24x128xi32, #tpu.memory_space<vmem>> -> memref<24x128xi32, #tpu.memory_space<vmem>>
      %dma_wait3A_331 = arith.constant 0 : i32
      %dma_wait3A_332 = tpu.memref_slice %arg4[%mul3A_24, %dma_wait3A_331] : memref<2560x128xi32, #tpu.memory_space<hbm>> -> memref<24x128xi32, #tpu.memory_space<hbm>>
      %dma_wait3A_333 = arith.constant 0 : i32
      %dma_wait3A_334 = arith.constant 0 : i32
      %dma_wait3A_335 = tpu.memref_slice %arg9[%dma_wait3A_333, %dma_wait3A_334] : memref<24x128xi32, #tpu.memory_space<vmem>> -> memref<24x128xi32, #tpu.memory_space<vmem>>
      %dma_wait3A_336 = arith.constant 0 : i32
      %dma_wait3A_337 = tpu.memref_slice %arg4[%mul3A_24, %dma_wait3A_336] : memref<2560x128xi32, #tpu.memory_space<hbm>> -> memref<24x128xi32, #tpu.memory_space<hbm>>
      tpu.wait_dma2 semaphore(%arg16 : memref<!tpu.dma_semaphore, #tpu.memory_space<semaphore_mem>>) src(%dma_wait3A_337 : memref<24x128xi32, #tpu.memory_space<hbm>>) dst(%dma_wait3A_335 : memref<24x128xi32, #tpu.memory_space<vmem>>)
      %dma_start3A_338 = arith.constant 0 : i32
      %dma_start3A_339 = arith.constant 0 : i32
      %dma_start3A_340 = tpu.memref_slice %arg8[%dma_start3A_338, %dma_start3A_339] : memref<24x128xi32, #tpu.memory_space<vmem>> -> memref<1x128xi32, #tpu.memory_space<vmem>>
      %dma_start3A_341 = tpu.memref_squeeze %dma_start3A_340 : memref<1x128xi32, #tpu.memory_space<vmem>> -> memref<128xi32, #tpu.memory_space<vmem>>
      %dma_start3A_342 = arith.constant 0 : i32
      %dma_start3A_343 = arith.constant 0 : i32
      %dma_start3A_344 = tpu.memref_slice %arg2[%dma_start3A_342, %dma_start3A_343] : memref<10000x128xf32, #tpu.memory_space<hbm>> -> memref<10000x128xf32, #tpu.memory_space<hbm>>
      tpu.enqueue_indirect_dma source(%dma_start3A_344 : memref<10000x128xf32, #tpu.memory_space<hbm>>) target(%arg10 : memref<128x128xf32, #tpu.memory_space<vmem>>) offsets(%dma_start3A_341 : memref<128xi32, #tpu.memory_space<vmem>>) semaphore(%arg13 : memref<!tpu.dma_semaphore, #tpu.memory_space<semaphore_mem>>)
      %scan3A_345 = arith.constant 0 : i32
      %scan3A_346 = arith.constant 0 : i32
      %scan3A_347 = arith.constant 12 : i32
      %scan3A_348 = arith.addi %scan3A_346, %scan3A_347 : i32
      %scan3A_349 = arith.constant 1 : i32
      scf.for %scan3A_351 = %scan3A_346 to %scan3A_348 step %scan3A_349  : i32 {
        %mul3A_352 = arith.constant 2 : i32
        %mul3A_353 = arith.muli %mul3A_352, %scan3A_351 : i32
        %add3A_354 = arith.constant 1 : i32
        %add3A_355 = arith.addi %mul3A_353, %add3A_354 : i32
        %dma_wait3A_356 = arith.constant 0 : i32
        %dma_wait3A_357 = arith.constant 0 : i32
        %dma_wait3A_358 = tpu.memref_slice %arg8[%dma_wait3A_356, %dma_wait3A_357] : memref<24x128xi32, #tpu.memory_space<vmem>> -> memref<1x128xi32, #tpu.memory_space<vmem>>
        %dma_wait3A_359 = tpu.memref_squeeze %dma_wait3A_358 : memref<1x128xi32, #tpu.memory_space<vmem>> -> memref<128xi32, #tpu.memory_space<vmem>>
        %dma_wait3A_360 = arith.constant 0 : i32
        %dma_wait3A_361 = arith.constant 0 : i32
        %dma_wait3A_362 = tpu.memref_slice %arg2[%dma_wait3A_360, %dma_wait3A_361] : memref<10000x128xf32, #tpu.memory_space<hbm>> -> memref<10000x128xf32, #tpu.memory_space<hbm>>
        tpu.wait_indirect_dma semaphore(%arg13 : memref<!tpu.dma_semaphore, #tpu.memory_space<semaphore_mem>>) src(%dma_wait3A_362 : memref<10000x128xf32, #tpu.memory_space<hbm>>) dst(%arg10 : memref<128x128xf32, #tpu.memory_space<vmem>>)
        %dma_start3A_363 = arith.constant 0 : i32
        %dma_start3A_364 = tpu.memref_slice %arg8[%add3A_355, %dma_start3A_363] : memref<24x128xi32, #tpu.memory_space<vmem>> -> memref<1x128xi32, #tpu.memory_space<vmem>>
        %dma_start3A_365 = tpu.memref_squeeze %dma_start3A_364 : memref<1x128xi32, #tpu.memory_space<vmem>> -> memref<128xi32, #tpu.memory_space<vmem>>
        %dma_start3A_366 = arith.constant 0 : i32
        %dma_start3A_367 = arith.constant 0 : i32
        %dma_start3A_368 = tpu.memref_slice %arg2[%dma_start3A_366, %dma_start3A_367] : memref<10000x128xf32, #tpu.memory_space<hbm>> -> memref<10000x128xf32, #tpu.memory_space<hbm>>
        tpu.enqueue_indirect_dma source(%dma_start3A_368 : memref<10000x128xf32, #tpu.memory_space<hbm>>) target(%arg11 : memref<128x128xf32, #tpu.memory_space<vmem>>) offsets(%dma_start3A_365 : memref<128xi32, #tpu.memory_space<vmem>>) semaphore(%arg14 : memref<!tpu.dma_semaphore, #tpu.memory_space<semaphore_mem>>)
        "tpu.region"() ({
          %run_scoped3A = tpu.sem_alloc : memref<!tpu.dma_semaphore, #tpu.memory_space<semaphore_mem>>
          %dma_start3A_382 = arith.constant 0 : i32
          %dma_start3A_383 = tpu.memref_slice %arg9[%mul3A_353, %dma_start3A_382] : memref<24x128xi32, #tpu.memory_space<vmem>> -> memref<1x128xi32, #tpu.memory_space<vmem>>
          %dma_start3A_384 = tpu.memref_squeeze %dma_start3A_383 : memref<1x128xi32, #tpu.memory_space<vmem>> -> memref<128xi32, #tpu.memory_space<vmem>>
          %dma_start3A_385 = arith.constant 0 : i32
          %dma_start3A_386 = arith.constant 0 : i32
          %dma_start3A_387 = tpu.memref_slice %arg12[%dma_start3A_385, %dma_start3A_386] : memref<10112x128xf32, #tpu.memory_space<vmem_shared>> -> memref<10112x128xf32, #tpu.memory_space<vmem_shared>>
          tpu.enqueue_indirect_dma source(%arg10 : memref<128x128xf32, #tpu.memory_space<vmem>>) target(%dma_start3A_387 : memref<10112x128xf32, #tpu.memory_space<vmem_shared>>) offsets(%dma_start3A_384 : memref<128xi32, #tpu.memory_space<vmem>>) semaphore(%run_scoped3A : memref<!tpu.dma_semaphore, #tpu.memory_space<semaphore_mem>>) {add = true}
          %dma_wait3A_388 = arith.constant 0 : i32
          %dma_wait3A_389 = tpu.memref_slice %arg9[%mul3A_353, %dma_wait3A_388] : memref<24x128xi32, #tpu.memory_space<vmem>> -> memref<1x128xi32, #tpu.memory_space<vmem>>
          %dma_wait3A_390 = tpu.memref_squeeze %dma_wait3A_389 : memref<1x128xi32, #tpu.memory_space<vmem>> -> memref<128xi32, #tpu.memory_space<vmem>>
          %dma_wait3A_391 = arith.constant 0 : i32
          %dma_wait3A_392 = arith.constant 0 : i32
          %dma_wait3A_393 = tpu.memref_slice %arg12[%dma_wait3A_391, %dma_wait3A_392] : memref<10112x128xf32, #tpu.memory_space<vmem_shared>> -> memref<10112x128xf32, #tpu.memory_space<vmem_shared>>
          tpu.wait_indirect_dma semaphore(%run_scoped3A : memref<!tpu.dma_semaphore, #tpu.memory_space<semaphore_mem>>) src(%arg10 : memref<128x128xf32, #tpu.memory_space<vmem>>) dst(%dma_wait3A_393 : memref<10112x128xf32, #tpu.memory_space<vmem_shared>>)
          tpu.yield
        }) : () -> ()
        %dma_wait3A_369 = arith.constant 0 : i32
        %dma_wait3A_370 = arith.constant 0 : i32
        %dma_wait3A_371 = tpu.memref_slice %arg8[%dma_wait3A_369, %dma_wait3A_370] : memref<24x128xi32, #tpu.memory_space<vmem>> -> memref<1x128xi32, #tpu.memory_space<vmem>>
        %dma_wait3A_372 = tpu.memref_squeeze %dma_wait3A_371 : memref<1x128xi32, #tpu.memory_space<vmem>> -> memref<128xi32, #tpu.memory_space<vmem>>
        %dma_wait3A_373 = arith.constant 0 : i32
        %dma_wait3A_374 = arith.constant 0 : i32
        %dma_wait3A_375 = tpu.memref_slice %arg2[%dma_wait3A_373, %dma_wait3A_374] : memref<10000x128xf32, #tpu.memory_space<hbm>> -> memref<10000x128xf32, #tpu.memory_space<hbm>>
        tpu.wait_indirect_dma semaphore(%arg14 : memref<!tpu.dma_semaphore, #tpu.memory_space<semaphore_mem>>) src(%dma_wait3A_375 : memref<10000x128xf32, #tpu.memory_space<hbm>>) dst(%arg11 : memref<128x128xf32, #tpu.memory_space<vmem>>)
        %add3A_376 = arith.constant 1 : i32
        %add3A_377 = arith.addi %add3A_355, %add3A_376 : i32
        %lt3A = arith.constant 24 : i32
        %lt3A_378 = arith.cmpi slt, %add3A_377, %lt3A : i32
        %convert_element_type3A_379 = arith.extui %lt3A_378 : i1 to i32
        %cond3A_380 = arith.constant 0 : i32
        %cond3A_381 = arith.cmpi ne, %convert_element_type3A_379, %cond3A_380 : i32
        scf.if %cond3A_381 {
          %add3A_382 = arith.constant 1 : i32
          %add3A_383 = arith.addi %add3A_355, %add3A_382 : i32
          %dma_start3A_384 = arith.constant 0 : i32
          %dma_start3A_385 = tpu.memref_slice %arg8[%add3A_383, %dma_start3A_384] : memref<24x128xi32, #tpu.memory_space<vmem>> -> memref<1x128xi32, #tpu.memory_space<vmem>>
          %dma_start3A_386 = tpu.memref_squeeze %dma_start3A_385 : memref<1x128xi32, #tpu.memory_space<vmem>> -> memref<128xi32, #tpu.memory_space<vmem>>
          %dma_start3A_387 = arith.constant 0 : i32
          %dma_start3A_388 = arith.constant 0 : i32
          %dma_start3A_389 = tpu.memref_slice %arg2[%dma_start3A_387, %dma_start3A_388] : memref<10000x128xf32, #tpu.memory_space<hbm>> -> memref<10000x128xf32, #tpu.memory_space<hbm>>
          tpu.enqueue_indirect_dma source(%dma_start3A_389 : memref<10000x128xf32, #tpu.memory_space<hbm>>) target(%arg10 : memref<128x128xf32, #tpu.memory_space<vmem>>) offsets(%dma_start3A_386 : memref<128xi32, #tpu.memory_space<vmem>>) semaphore(%arg13 : memref<!tpu.dma_semaphore, #tpu.memory_space<semaphore_mem>>)
        } else {
        }
        "tpu.region"() ({
          %run_scoped3A = tpu.sem_alloc : memref<!tpu.dma_semaphore, #tpu.memory_space<semaphore_mem>>
          %dma_start3A_382 = arith.constant 0 : i32
          %dma_start3A_383 = tpu.memref_slice %arg9[%add3A_355, %dma_start3A_382] : memref<24x128xi32, #tpu.memory_space<vmem>> -> memref<1x128xi32, #tpu.memory_space<vmem>>
          %dma_start3A_384 = tpu.memref_squeeze %dma_start3A_383 : memref<1x128xi32, #tpu.memory_space<vmem>> -> memref<128xi32, #tpu.memory_space<vmem>>
          %dma_start3A_385 = arith.constant 0 : i32
          %dma_start3A_386 = arith.constant 0 : i32
          %dma_start3A_387 = tpu.memref_slice %arg12[%dma_start3A_385, %dma_start3A_386] : memref<10112x128xf32, #tpu.memory_space<vmem_shared>> -> memref<10112x128xf32, #tpu.memory_space<vmem_shared>>
          tpu.enqueue_indirect_dma source(%arg11 : memref<128x128xf32, #tpu.memory_space<vmem>>) target(%dma_start3A_387 : memref<10112x128xf32, #tpu.memory_space<vmem_shared>>) offsets(%dma_start3A_384 : memref<128xi32, #tpu.memory_space<vmem>>) semaphore(%run_scoped3A : memref<!tpu.dma_semaphore, #tpu.memory_space<semaphore_mem>>) {add = true}
          %dma_wait3A_388 = arith.constant 0 : i32
          %dma_wait3A_389 = tpu.memref_slice %arg9[%add3A_355, %dma_wait3A_388] : memref<24x128xi32, #tpu.memory_space<vmem>> -> memref<1x128xi32, #tpu.memory_space<vmem>>
          %dma_wait3A_390 = tpu.memref_squeeze %dma_wait3A_389 : memref<1x128xi32, #tpu.memory_space<vmem>> -> memref<128xi32, #tpu.memory_space<vmem>>
          %dma_wait3A_391 = arith.constant 0 : i32
          %dma_wait3A_392 = arith.constant 0 : i32
          %dma_wait3A_393 = tpu.memref_slice %arg12[%dma_wait3A_391, %dma_wait3A_392] : memref<10112x128xf32, #tpu.memory_space<vmem_shared>> -> memref<10112x128xf32, #tpu.memory_space<vmem_shared>>
          tpu.wait_indirect_dma semaphore(%run_scoped3A : memref<!tpu.dma_semaphore, #tpu.memory_space<semaphore_mem>>) src(%arg11 : memref<128x128xf32, #tpu.memory_space<vmem>>) dst(%dma_wait3A_393 : memref<10112x128xf32, #tpu.memory_space<vmem_shared>>)
          tpu.yield
        }) : () -> ()
      }
      %scan3A_350 = arith.constant 12 : i32
    } else {
    }
    %eq3A_17 = arith.constant 1 : i32
    %eq3A_18 = arith.cmpi eq, %arg0, %eq3A_17 : i32
    %convert_element_type3A_19 = arith.extui %eq3A_18 : i1 to i32
    %cond3A_20 = arith.constant 0 : i32
    %cond3A_21 = arith.cmpi ne, %convert_element_type3A_19, %cond3A_20 : i32
    scf.if %cond3A_21 {
      %mul3A_23 = arith.constant 16 : i32
      %mul3A_24 = arith.muli %arg1, %mul3A_23 : i32
      %add3A_25 = arith.constant 2304 : i32
      %add3A_26 = arith.addi %add3A_25, %mul3A_24 : i32
      %dma_start3A = arith.constant 0 : i32
      %dma_start3A_27 = arith.constant 0 : i32
      %dma_start3A_28 = tpu.memref_slice %arg6[%dma_start3A, %dma_start3A_27] : memref<24x128xi32, #tpu.memory_space<vmem>> -> memref<16x128xi32, #tpu.memory_space<vmem>>
      %dma_start3A_29 = arith.constant 0 : i32
      %dma_start3A_30 = tpu.memref_slice %arg3[%add3A_26, %dma_start3A_29] : memref<2560x128xi32, #tpu.memory_space<hbm>> -> memref<16x128xi32, #tpu.memory_space<hbm>>
      %dma_start3A_31 = arith.constant 0 : i32
      %dma_start3A_32 = arith.constant 0 : i32
      %dma_start3A_33 = tpu.memref_slice %arg6[%dma_start3A_31, %dma_start3A_32] : memref<24x128xi32, #tpu.memory_space<vmem>> -> memref<16x128xi32, #tpu.memory_space<vmem>>
      %dma_start3A_34 = arith.constant 0 : i32
      %dma_start3A_35 = tpu.memref_slice %arg3[%add3A_26, %dma_start3A_34] : memref<2560x128xi32, #tpu.memory_space<hbm>> -> memref<16x128xi32, #tpu.memory_space<hbm>>
      tpu.enqueue_dma source(%dma_start3A_35 : memref<16x128xi32, #tpu.memory_space<hbm>>) target(%dma_start3A_33 : memref<16x128xi32, #tpu.memory_space<vmem>>) target_semaphore(%arg15 : memref<!tpu.dma_semaphore, #tpu.memory_space<semaphore_mem>>)
      %dma_start3A_36 = arith.constant 0 : i32
      %dma_start3A_37 = arith.constant 0 : i32
      %dma_start3A_38 = tpu.memref_slice %arg7[%dma_start3A_36, %dma_start3A_37] : memref<24x128xi32, #tpu.memory_space<vmem>> -> memref<16x128xi32, #tpu.memory_space<vmem>>
      %dma_start3A_39 = arith.constant 0 : i32
      %dma_start3A_40 = tpu.memref_slice %arg4[%add3A_26, %dma_start3A_39] : memref<2560x128xi32, #tpu.memory_space<hbm>> -> memref<16x128xi32, #tpu.memory_space<hbm>>
      %dma_start3A_41 = arith.constant 0 : i32
      %dma_start3A_42 = arith.constant 0 : i32
      %dma_start3A_43 = tpu.memref_slice %arg7[%dma_start3A_41, %dma_start3A_42] : memref<24x128xi32, #tpu.memory_space<vmem>> -> memref<16x128xi32, #tpu.memory_space<vmem>>
      %dma_start3A_44 = arith.constant 0 : i32
      %dma_start3A_45 = tpu.memref_slice %arg4[%add3A_26, %dma_start3A_44] : memref<2560x128xi32, #tpu.memory_space<hbm>> -> memref<16x128xi32, #tpu.memory_space<hbm>>
      tpu.enqueue_dma source(%dma_start3A_45 : memref<16x128xi32, #tpu.memory_space<hbm>>) target(%dma_start3A_43 : memref<16x128xi32, #tpu.memory_space<vmem>>) target_semaphore(%arg15 : memref<!tpu.dma_semaphore, #tpu.memory_space<semaphore_mem>>)
      %dma_wait3A = arith.constant 0 : i32
      %dma_wait3A_46 = arith.constant 0 : i32
      %dma_wait3A_47 = tpu.memref_slice %arg6[%dma_wait3A, %dma_wait3A_46] : memref<24x128xi32, #tpu.memory_space<vmem>> -> memref<16x128xi32, #tpu.memory_space<vmem>>
      %dma_wait3A_48 = arith.constant 0 : i32
      %dma_wait3A_49 = tpu.memref_slice %arg3[%add3A_26, %dma_wait3A_48] : memref<2560x128xi32, #tpu.memory_space<hbm>> -> memref<16x128xi32, #tpu.memory_space<hbm>>
      %dma_wait3A_50 = arith.constant 0 : i32
      %dma_wait3A_51 = arith.constant 0 : i32
      %dma_wait3A_52 = tpu.memref_slice %arg6[%dma_wait3A_50, %dma_wait3A_51] : memref<24x128xi32, #tpu.memory_space<vmem>> -> memref<16x128xi32, #tpu.memory_space<vmem>>
      %dma_wait3A_53 = arith.constant 0 : i32
      %dma_wait3A_54 = tpu.memref_slice %arg3[%add3A_26, %dma_wait3A_53] : memref<2560x128xi32, #tpu.memory_space<hbm>> -> memref<16x128xi32, #tpu.memory_space<hbm>>
      tpu.wait_dma2 semaphore(%arg15 : memref<!tpu.dma_semaphore, #tpu.memory_space<semaphore_mem>>) src(%dma_wait3A_54 : memref<16x128xi32, #tpu.memory_space<hbm>>) dst(%dma_wait3A_52 : memref<16x128xi32, #tpu.memory_space<vmem>>)
      %dma_wait3A_55 = arith.constant 0 : i32
      %dma_wait3A_56 = arith.constant 0 : i32
      %dma_wait3A_57 = tpu.memref_slice %arg7[%dma_wait3A_55, %dma_wait3A_56] : memref<24x128xi32, #tpu.memory_space<vmem>> -> memref<16x128xi32, #tpu.memory_space<vmem>>
      %dma_wait3A_58 = arith.constant 0 : i32
      %dma_wait3A_59 = tpu.memref_slice %arg4[%add3A_26, %dma_wait3A_58] : memref<2560x128xi32, #tpu.memory_space<hbm>> -> memref<16x128xi32, #tpu.memory_space<hbm>>
      %dma_wait3A_60 = arith.constant 0 : i32
      %dma_wait3A_61 = arith.constant 0 : i32
      %dma_wait3A_62 = tpu.memref_slice %arg7[%dma_wait3A_60, %dma_wait3A_61] : memref<24x128xi32, #tpu.memory_space<vmem>> -> memref<16x128xi32, #tpu.memory_space<vmem>>
      %dma_wait3A_63 = arith.constant 0 : i32
      %dma_wait3A_64 = tpu.memref_slice %arg4[%add3A_26, %dma_wait3A_63] : memref<2560x128xi32, #tpu.memory_space<hbm>> -> memref<16x128xi32, #tpu.memory_space<hbm>>
      tpu.wait_dma2 semaphore(%arg15 : memref<!tpu.dma_semaphore, #tpu.memory_space<semaphore_mem>>) src(%dma_wait3A_64 : memref<16x128xi32, #tpu.memory_space<hbm>>) dst(%dma_wait3A_62 : memref<16x128xi32, #tpu.memory_space<vmem>>)
      %dma_start3A_65 = arith.constant 0 : i32
      %dma_start3A_66 = arith.constant 0 : i32
      %dma_start3A_67 = tpu.memref_slice %arg6[%dma_start3A_65, %dma_start3A_66] : memref<24x128xi32, #tpu.memory_space<vmem>> -> memref<1x128xi32, #tpu.memory_space<vmem>>
      %dma_start3A_68 = tpu.memref_squeeze %dma_start3A_67 : memref<1x128xi32, #tpu.memory_space<vmem>> -> memref<128xi32, #tpu.memory_space<vmem>>
      %dma_start3A_69 = arith.constant 0 : i32
      %dma_start3A_70 = arith.constant 0 : i32
      %dma_start3A_71 = tpu.memref_slice %arg2[%dma_start3A_69, %dma_start3A_70] : memref<10000x128xf32, #tpu.memory_space<hbm>> -> memref<10000x128xf32, #tpu.memory_space<hbm>>
      tpu.enqueue_indirect_dma source(%dma_start3A_71 : memref<10000x128xf32, #tpu.memory_space<hbm>>) target(%arg10 : memref<128x128xf32, #tpu.memory_space<vmem>>) offsets(%dma_start3A_68 : memref<128xi32, #tpu.memory_space<vmem>>) semaphore(%arg13 : memref<!tpu.dma_semaphore, #tpu.memory_space<semaphore_mem>>)
      %scan3A_72 = arith.constant 0 : i32
      %scan3A_73 = arith.constant 0 : i32
      %scan3A_74 = arith.constant 8 : i32
      %scan3A_75 = arith.addi %scan3A_73, %scan3A_74 : i32
      %scan3A_76 = arith.constant 1 : i32
      scf.for %scan3A_78 = %scan3A_73 to %scan3A_75 step %scan3A_76  : i32 {
        %mul3A_79 = arith.constant 2 : i32
        %mul3A_80 = arith.muli %mul3A_79, %scan3A_78 : i32
        %add3A_81 = arith.constant 1 : i32
        %add3A_82 = arith.addi %mul3A_80, %add3A_81 : i32
        %dma_wait3A_83 = arith.constant 0 : i32
        %dma_wait3A_84 = arith.constant 0 : i32
        %dma_wait3A_85 = tpu.memref_slice %arg6[%dma_wait3A_83, %dma_wait3A_84] : memref<24x128xi32, #tpu.memory_space<vmem>> -> memref<1x128xi32, #tpu.memory_space<vmem>>
        %dma_wait3A_86 = tpu.memref_squeeze %dma_wait3A_85 : memref<1x128xi32, #tpu.memory_space<vmem>> -> memref<128xi32, #tpu.memory_space<vmem>>
        %dma_wait3A_87 = arith.constant 0 : i32
        %dma_wait3A_88 = arith.constant 0 : i32
        %dma_wait3A_89 = tpu.memref_slice %arg2[%dma_wait3A_87, %dma_wait3A_88] : memref<10000x128xf32, #tpu.memory_space<hbm>> -> memref<10000x128xf32, #tpu.memory_space<hbm>>
        tpu.wait_indirect_dma semaphore(%arg13 : memref<!tpu.dma_semaphore, #tpu.memory_space<semaphore_mem>>) src(%dma_wait3A_89 : memref<10000x128xf32, #tpu.memory_space<hbm>>) dst(%arg10 : memref<128x128xf32, #tpu.memory_space<vmem>>)
        %dma_start3A_90 = arith.constant 0 : i32
        %dma_start3A_91 = tpu.memref_slice %arg6[%add3A_82, %dma_start3A_90] : memref<24x128xi32, #tpu.memory_space<vmem>> -> memref<1x128xi32, #tpu.memory_space<vmem>>
        %dma_start3A_92 = tpu.memref_squeeze %dma_start3A_91 : memref<1x128xi32, #tpu.memory_space<vmem>> -> memref<128xi32, #tpu.memory_space<vmem>>
        %dma_start3A_93 = arith.constant 0 : i32
        %dma_start3A_94 = arith.constant 0 : i32
        %dma_start3A_95 = tpu.memref_slice %arg2[%dma_start3A_93, %dma_start3A_94] : memref<10000x128xf32, #tpu.memory_space<hbm>> -> memref<10000x128xf32, #tpu.memory_space<hbm>>
        tpu.enqueue_indirect_dma source(%dma_start3A_95 : memref<10000x128xf32, #tpu.memory_space<hbm>>) target(%arg11 : memref<128x128xf32, #tpu.memory_space<vmem>>) offsets(%dma_start3A_92 : memref<128xi32, #tpu.memory_space<vmem>>) semaphore(%arg14 : memref<!tpu.dma_semaphore, #tpu.memory_space<semaphore_mem>>)
        "tpu.region"() ({
          %run_scoped3A = tpu.sem_alloc : memref<!tpu.dma_semaphore, #tpu.memory_space<semaphore_mem>>
          %dma_start3A_109 = arith.constant 0 : i32
          %dma_start3A_110 = tpu.memref_slice %arg7[%mul3A_80, %dma_start3A_109] : memref<24x128xi32, #tpu.memory_space<vmem>> -> memref<1x128xi32, #tpu.memory_space<vmem>>
          %dma_start3A_111 = tpu.memref_squeeze %dma_start3A_110 : memref<1x128xi32, #tpu.memory_space<vmem>> -> memref<128xi32, #tpu.memory_space<vmem>>
          %dma_start3A_112 = arith.constant 0 : i32
          %dma_start3A_113 = arith.constant 0 : i32
          %dma_start3A_114 = tpu.memref_slice %arg12[%dma_start3A_112, %dma_start3A_113] : memref<10112x128xf32, #tpu.memory_space<vmem_shared>> -> memref<10112x128xf32, #tpu.memory_space<vmem_shared>>
          tpu.enqueue_indirect_dma source(%arg10 : memref<128x128xf32, #tpu.memory_space<vmem>>) target(%dma_start3A_114 : memref<10112x128xf32, #tpu.memory_space<vmem_shared>>) offsets(%dma_start3A_111 : memref<128xi32, #tpu.memory_space<vmem>>) semaphore(%run_scoped3A : memref<!tpu.dma_semaphore, #tpu.memory_space<semaphore_mem>>) {add = true}
          %dma_wait3A_115 = arith.constant 0 : i32
          %dma_wait3A_116 = tpu.memref_slice %arg7[%mul3A_80, %dma_wait3A_115] : memref<24x128xi32, #tpu.memory_space<vmem>> -> memref<1x128xi32, #tpu.memory_space<vmem>>
          %dma_wait3A_117 = tpu.memref_squeeze %dma_wait3A_116 : memref<1x128xi32, #tpu.memory_space<vmem>> -> memref<128xi32, #tpu.memory_space<vmem>>
          %dma_wait3A_118 = arith.constant 0 : i32
          %dma_wait3A_119 = arith.constant 0 : i32
          %dma_wait3A_120 = tpu.memref_slice %arg12[%dma_wait3A_118, %dma_wait3A_119] : memref<10112x128xf32, #tpu.memory_space<vmem_shared>> -> memref<10112x128xf32, #tpu.memory_space<vmem_shared>>
          tpu.wait_indirect_dma semaphore(%run_scoped3A : memref<!tpu.dma_semaphore, #tpu.memory_space<semaphore_mem>>) src(%arg10 : memref<128x128xf32, #tpu.memory_space<vmem>>) dst(%dma_wait3A_120 : memref<10112x128xf32, #tpu.memory_space<vmem_shared>>)
          tpu.yield
        }) : () -> ()
        %dma_wait3A_96 = arith.constant 0 : i32
        %dma_wait3A_97 = arith.constant 0 : i32
        %dma_wait3A_98 = tpu.memref_slice %arg6[%dma_wait3A_96, %dma_wait3A_97] : memref<24x128xi32, #tpu.memory_space<vmem>> -> memref<1x128xi32, #tpu.memory_space<vmem>>
        %dma_wait3A_99 = tpu.memref_squeeze %dma_wait3A_98 : memref<1x128xi32, #tpu.memory_space<vmem>> -> memref<128xi32, #tpu.memory_space<vmem>>
        %dma_wait3A_100 = arith.constant 0 : i32
        %dma_wait3A_101 = arith.constant 0 : i32
        %dma_wait3A_102 = tpu.memref_slice %arg2[%dma_wait3A_100, %dma_wait3A_101] : memref<10000x128xf32, #tpu.memory_space<hbm>> -> memref<10000x128xf32, #tpu.memory_space<hbm>>
        tpu.wait_indirect_dma semaphore(%arg14 : memref<!tpu.dma_semaphore, #tpu.memory_space<semaphore_mem>>) src(%dma_wait3A_102 : memref<10000x128xf32, #tpu.memory_space<hbm>>) dst(%arg11 : memref<128x128xf32, #tpu.memory_space<vmem>>)
        %add3A_103 = arith.constant 1 : i32
        %add3A_104 = arith.addi %add3A_82, %add3A_103 : i32
        %lt3A = arith.constant 16 : i32
        %lt3A_105 = arith.cmpi slt, %add3A_104, %lt3A : i32
        %convert_element_type3A_106 = arith.extui %lt3A_105 : i1 to i32
        %cond3A_107 = arith.constant 0 : i32
        %cond3A_108 = arith.cmpi ne, %convert_element_type3A_106, %cond3A_107 : i32
        scf.if %cond3A_108 {
          %add3A_109 = arith.constant 1 : i32
          %add3A_110 = arith.addi %add3A_82, %add3A_109 : i32
          %dma_start3A_111 = arith.constant 0 : i32
          %dma_start3A_112 = tpu.memref_slice %arg6[%add3A_110, %dma_start3A_111] : memref<24x128xi32, #tpu.memory_space<vmem>> -> memref<1x128xi32, #tpu.memory_space<vmem>>
          %dma_start3A_113 = tpu.memref_squeeze %dma_start3A_112 : memref<1x128xi32, #tpu.memory_space<vmem>> -> memref<128xi32, #tpu.memory_space<vmem>>
          %dma_start3A_114 = arith.constant 0 : i32
          %dma_start3A_115 = arith.constant 0 : i32
          %dma_start3A_116 = tpu.memref_slice %arg2[%dma_start3A_114, %dma_start3A_115] : memref<10000x128xf32, #tpu.memory_space<hbm>> -> memref<10000x128xf32, #tpu.memory_space<hbm>>
          tpu.enqueue_indirect_dma source(%dma_start3A_116 : memref<10000x128xf32, #tpu.memory_space<hbm>>) target(%arg10 : memref<128x128xf32, #tpu.memory_space<vmem>>) offsets(%dma_start3A_113 : memref<128xi32, #tpu.memory_space<vmem>>) semaphore(%arg13 : memref<!tpu.dma_semaphore, #tpu.memory_space<semaphore_mem>>)
        } else {
        }
        "tpu.region"() ({
          %run_scoped3A = tpu.sem_alloc : memref<!tpu.dma_semaphore, #tpu.memory_space<semaphore_mem>>
          %dma_start3A_109 = arith.constant 0 : i32
          %dma_start3A_110 = tpu.memref_slice %arg7[%add3A_82, %dma_start3A_109] : memref<24x128xi32, #tpu.memory_space<vmem>> -> memref<1x128xi32, #tpu.memory_space<vmem>>
          %dma_start3A_111 = tpu.memref_squeeze %dma_start3A_110 : memref<1x128xi32, #tpu.memory_space<vmem>> -> memref<128xi32, #tpu.memory_space<vmem>>
          %dma_start3A_112 = arith.constant 0 : i32
          %dma_start3A_113 = arith.constant 0 : i32
          %dma_start3A_114 = tpu.memref_slice %arg12[%dma_start3A_112, %dma_start3A_113] : memref<10112x128xf32, #tpu.memory_space<vmem_shared>> -> memref<10112x128xf32, #tpu.memory_space<vmem_shared>>
          tpu.enqueue_indirect_dma source(%arg11 : memref<128x128xf32, #tpu.memory_space<vmem>>) target(%dma_start3A_114 : memref<10112x128xf32, #tpu.memory_space<vmem_shared>>) offsets(%dma_start3A_111 : memref<128xi32, #tpu.memory_space<vmem>>) semaphore(%run_scoped3A : memref<!tpu.dma_semaphore, #tpu.memory_space<semaphore_mem>>) {add = true}
          %dma_wait3A_115 = arith.constant 0 : i32
          %dma_wait3A_116 = tpu.memref_slice %arg7[%add3A_82, %dma_wait3A_115] : memref<24x128xi32, #tpu.memory_space<vmem>> -> memref<1x128xi32, #tpu.memory_space<vmem>>
          %dma_wait3A_117 = tpu.memref_squeeze %dma_wait3A_116 : memref<1x128xi32, #tpu.memory_space<vmem>> -> memref<128xi32, #tpu.memory_space<vmem>>
          %dma_wait3A_118 = arith.constant 0 : i32
          %dma_wait3A_119 = arith.constant 0 : i32
          %dma_wait3A_120 = tpu.memref_slice %arg12[%dma_wait3A_118, %dma_wait3A_119] : memref<10112x128xf32, #tpu.memory_space<vmem_shared>> -> memref<10112x128xf32, #tpu.memory_space<vmem_shared>>
          tpu.wait_indirect_dma semaphore(%run_scoped3A : memref<!tpu.dma_semaphore, #tpu.memory_space<semaphore_mem>>) src(%arg11 : memref<128x128xf32, #tpu.memory_space<vmem>>) dst(%dma_wait3A_120 : memref<10112x128xf32, #tpu.memory_space<vmem_shared>>)
          tpu.yield
        }) : () -> ()
      }
      %scan3A_77 = arith.constant 8 : i32
    } else {
    }
    %barrier3A_22 = arith.constant 0 : index
    tpu.barrier barrier_id(%barrier3A_22)
    "tpu.region"() ({
      %run_scoped3A = tpu.sem_alloc : memref<!tpu.dma_semaphore, #tpu.memory_space<semaphore_mem>>
      %dma_start3A = arith.constant 0 : i32
      %dma_start3A_23 = tpu.memref_slice %arg5[%arg0, %mul3A_5, %dma_start3A] : memref<2x10112x128xf32, #tpu.memory_space<hbm>> -> memref<1x632x128xf32, #tpu.memory_space<hbm>>
      %dma_start3A_24 = tpu.memref_squeeze %dma_start3A_23 : memref<1x632x128xf32, #tpu.memory_space<hbm>> -> memref<632x128xf32, #tpu.memory_space<hbm>>
      %dma_start3A_25 = arith.constant 0 : i32
      %dma_start3A_26 = tpu.memref_slice %arg12[%mul3A_5, %dma_start3A_25] : memref<10112x128xf32, #tpu.memory_space<vmem_shared>> -> memref<632x128xf32, #tpu.memory_space<vmem_shared>>
      tpu.enqueue_dma source(%dma_start3A_26 : memref<632x128xf32, #tpu.memory_space<vmem_shared>>) target(%dma_start3A_24 : memref<632x128xf32, #tpu.memory_space<hbm>>) target_semaphore(%run_scoped3A : memref<!tpu.dma_semaphore, #tpu.memory_space<semaphore_mem>>)
      %dma_wait3A = arith.constant 0 : i32
      %dma_wait3A_27 = tpu.memref_slice %arg5[%arg0, %mul3A_5, %dma_wait3A] : memref<2x10112x128xf32, #tpu.memory_space<hbm>> -> memref<1x632x128xf32, #tpu.memory_space<hbm>>
      %dma_wait3A_28 = tpu.memref_squeeze %dma_wait3A_27 : memref<1x632x128xf32, #tpu.memory_space<hbm>> -> memref<632x128xf32, #tpu.memory_space<hbm>>
      %dma_wait3A_29 = arith.constant 0 : i32
      %dma_wait3A_30 = tpu.memref_slice %arg12[%mul3A_5, %dma_wait3A_29] : memref<10112x128xf32, #tpu.memory_space<vmem_shared>> -> memref<632x128xf32, #tpu.memory_space<vmem_shared>>
      tpu.wait_dma2 semaphore(%run_scoped3A : memref<!tpu.dma_semaphore, #tpu.memory_space<semaphore_mem>>) src(%dma_wait3A_30 : memref<632x128xf32, #tpu.memory_space<vmem_shared>>) dst(%dma_wait3A_28 : memref<632x128xf32, #tpu.memory_space<hbm>>)
      tpu.yield
    }) : () -> ()
    return
  }
}

module attributes {stable_mosaic.version = 14 : i64} {
  func.func @_gru_body(%arg0: i32, %arg1: memref<2x2000x128xf32, #tpu.memory_space<vmem>>, %arg2: memref<2000x128xf32, #tpu.memory_space<vmem>>, %arg3: memref<384x128xf32, #tpu.memory_space<vmem>>, %arg4: memref<384x128xf32, #tpu.memory_space<vmem>>, %arg5: memref<1x384xf32, #tpu.memory_space<vmem>>, %arg6: memref<1x384xf32, #tpu.memory_space<vmem>>, %arg7: memref<1x128xf32, #tpu.memory_space<vmem>>, %arg8: memref<1x128xf32, #tpu.memory_space<vmem>>, %arg9: memref<2000x128xf32, #tpu.memory_space<vmem>>) attributes {dimension_semantics = [#tpu.dimension_semantics<arbitrary>], iteration_bounds = array<i64: 5>, scalar_prefetch = 0 : i64, scratch_operands = 0 : i64, tpu.core_type = #tpu.core_type<tc>, window_params = [{transform_indices = @transform_0, window_bounds = array<i64: 2, 2000, 128>}, {transform_indices = @transform_1, window_bounds = array<i64: 2000, 128>}, {pipeline_mode = #tpu.pipeline_mode<synchronous>, transform_indices = @transform_2, window_bounds = array<i64: 384, 128>}, {pipeline_mode = #tpu.pipeline_mode<synchronous>, transform_indices = @transform_3, window_bounds = array<i64: 384, 128>}, {pipeline_mode = #tpu.pipeline_mode<synchronous>, transform_indices = @transform_4, window_bounds = array<i64: 1, 384>}, {pipeline_mode = #tpu.pipeline_mode<synchronous>, transform_indices = @transform_5, window_bounds = array<i64: 1, 384>}, {pipeline_mode = #tpu.pipeline_mode<synchronous>, transform_indices = @transform_6, window_bounds = array<i64: 1, 128>}, {pipeline_mode = #tpu.pipeline_mode<synchronous>, transform_indices = @transform_7, window_bounds = array<i64: 1, 128>}, {transform_indices = @transform_8, window_bounds = array<i64: 2000, 128>}]} {
    %get3A = arith.constant 0 : index
    %get3A_0 = arith.constant 0 : index
    %get3A_1 = arith.constant 0 : index
    %get3A_2 = vector.load %arg1[%get3A, %get3A_0, %get3A_1] : memref<2x2000x128xf32, #tpu.memory_space<vmem>>, vector<1x2000x128xf32>
    %get3A_3 = vector.shape_cast %get3A_2 : vector<1x2000x128xf32> to vector<2000x128xf32>
    %get3A_4 = arith.constant 1 : index
    %get3A_5 = arith.constant 0 : index
    %get3A_6 = arith.constant 0 : index
    %get3A_7 = vector.load %arg1[%get3A_4, %get3A_5, %get3A_6] : memref<2x2000x128xf32, #tpu.memory_space<vmem>>, vector<1x2000x128xf32>
    %get3A_8 = vector.shape_cast %get3A_7 : vector<1x2000x128xf32> to vector<2000x128xf32>
    %add3A = arith.addf %get3A_3, %get3A_8 : vector<2000x128xf32>
    %get3A_9 = arith.constant 0 : index
    %get3A_10 = arith.constant 0 : index
    %get3A_11 = vector.load %arg2[%get3A_9, %get3A_10] : memref<2000x128xf32, #tpu.memory_space<vmem>>, vector<2000x128xf32>
    %get3A_12 = arith.constant 0 : index
    %get3A_13 = arith.constant 0 : index
    %get3A_14 = vector.load %arg3[%get3A_12, %get3A_13] : memref<384x128xf32, #tpu.memory_space<vmem>>, vector<384x128xf32>
    %dot_general3A = arith.constant dense<0.000000e+00> : vector<2000x384xf32>
    %dot_general3A_15 = tpu.matmul %add3A, %get3A_14, %dot_general3A {dimension_numbers = #tpu.dot_dimension_numbers<[1], [1], [0], [0], [0, 0, 1, 0], [], []>, transpose_lhs_hint = false} : vector<2000x128xf32>, vector<384x128xf32>, vector<2000x384xf32> -> vector<2000x384xf32>
    %get3A_16 = arith.constant 0 : index
    %get3A_17 = arith.constant 0 : index
    %get3A_18 = vector.load %arg5[%get3A_16, %get3A_17] : memref<1x384xf32, #tpu.memory_space<vmem>>, vector<1x384xf32>
    %add3A_19 = vector.broadcast %get3A_18 : vector<1x384xf32> to vector<2000x384xf32>
    %add3A_20 = arith.addf %dot_general3A_15, %add3A_19 : vector<2000x384xf32>
    %get3A_21 = arith.constant 0 : index
    %get3A_22 = arith.constant 0 : index
    %get3A_23 = vector.load %arg4[%get3A_21, %get3A_22] : memref<384x128xf32, #tpu.memory_space<vmem>>, vector<384x128xf32>
    %dot_general3A_24 = arith.constant dense<0.000000e+00> : vector<2000x384xf32>
    %dot_general3A_25 = tpu.matmul %get3A_11, %get3A_23, %dot_general3A_24 {dimension_numbers = #tpu.dot_dimension_numbers<[1], [1], [0], [0], [0, 0, 1, 0], [], []>, transpose_lhs_hint = false} : vector<2000x128xf32>, vector<384x128xf32>, vector<2000x384xf32> -> vector<2000x384xf32>
    %get3A_26 = arith.constant 0 : index
    %get3A_27 = arith.constant 0 : index
    %get3A_28 = vector.load %arg6[%get3A_26, %get3A_27] : memref<1x384xf32, #tpu.memory_space<vmem>>, vector<1x384xf32>
    %add3A_29 = vector.broadcast %get3A_28 : vector<1x384xf32> to vector<2000x384xf32>
    %add3A_30 = arith.addf %dot_general3A_25, %add3A_29 : vector<2000x384xf32>
    %slice3A = vector.extract_strided_slice %add3A_20 {offsets = [0, 0], sizes = [2000, 128], strides = [1, 1]} : vector<2000x384xf32> to vector<2000x128xf32>
    %slice3A_31 = vector.extract_strided_slice %add3A_30 {offsets = [0, 0], sizes = [2000, 128], strides = [1, 1]} : vector<2000x384xf32> to vector<2000x128xf32>
    %add3A_32 = arith.addf %slice3A, %slice3A_31 : vector<2000x128xf32>
    %logistic3A = arith.negf %add3A_32 : vector<2000x128xf32>
    %logistic3A_33 = math.exp %logistic3A : vector<2000x128xf32>
    %logistic3A_34 = arith.constant 1.000000e+00 : f32
    %logistic3A_35 = vector.broadcast %logistic3A_34 : f32 to vector<2000x128xf32>
    %logistic3A_36 = arith.addf %logistic3A_35, %logistic3A_33 : vector<2000x128xf32>
    %logistic3A_37 = arith.divf %logistic3A_35, %logistic3A_36 : vector<2000x128xf32>
    %slice3A_38 = vector.extract_strided_slice %add3A_20 {offsets = [0, 128], sizes = [2000, 128], strides = [1, 1]} : vector<2000x384xf32> to vector<2000x128xf32>
    %slice3A_39 = vector.extract_strided_slice %add3A_30 {offsets = [0, 128], sizes = [2000, 128], strides = [1, 1]} : vector<2000x384xf32> to vector<2000x128xf32>
    %add3A_40 = arith.addf %slice3A_38, %slice3A_39 : vector<2000x128xf32>
    %logistic3A_41 = arith.negf %add3A_40 : vector<2000x128xf32>
    %logistic3A_42 = math.exp %logistic3A_41 : vector<2000x128xf32>
    %logistic3A_43 = arith.constant 1.000000e+00 : f32
    %logistic3A_44 = vector.broadcast %logistic3A_43 : f32 to vector<2000x128xf32>
    %logistic3A_45 = arith.addf %logistic3A_44, %logistic3A_42 : vector<2000x128xf32>
    %logistic3A_46 = arith.divf %logistic3A_44, %logistic3A_45 : vector<2000x128xf32>
    %slice3A_47 = vector.extract_strided_slice %add3A_20 {offsets = [0, 256], sizes = [2000, 128], strides = [1, 1]} : vector<2000x384xf32> to vector<2000x128xf32>
    %slice3A_48 = vector.extract_strided_slice %add3A_30 {offsets = [0, 256], sizes = [2000, 128], strides = [1, 1]} : vector<2000x384xf32> to vector<2000x128xf32>
    %mul3A = arith.mulf %logistic3A_37, %slice3A_48 : vector<2000x128xf32>
    %add3A_49 = arith.addf %slice3A_47, %mul3A : vector<2000x128xf32>
    %tanh3A = math.tanh %add3A_49 : vector<2000x128xf32>
    %sub3A = arith.constant 1.000000e+00 : f32
    %sub3A_50 = vector.broadcast %sub3A : f32 to vector<2000x128xf32>
    %sub3A_51 = arith.subf %sub3A_50, %logistic3A_46 : vector<2000x128xf32>
    %mul3A_52 = arith.mulf %sub3A_51, %tanh3A : vector<2000x128xf32>
    %mul3A_53 = arith.mulf %logistic3A_46, %get3A_11 : vector<2000x128xf32>
    %add3A_54 = arith.addf %mul3A_52, %mul3A_53 : vector<2000x128xf32>
    %reduce_sum3A = arith.constant dense<0.000000e+00> : vector<2000xf32>
    %reduce_sum3A_55 = vector.multi_reduction <add>, %add3A_54, %reduce_sum3A [1] : vector<2000x128xf32> to vector<2000xf32>
    %broadcast_in_dim3A = vector.shape_cast %reduce_sum3A_55 : vector<2000xf32> to vector<2000x1xf32>
    %div3A = arith.constant 1.280000e+02 : f32
    %div3A_56 = vector.broadcast %div3A : f32 to vector<2000x1xf32>
    %div3A_57 = arith.divf %broadcast_in_dim3A, %div3A_56 : vector<2000x1xf32>
    %sub3A_58 = vector.broadcast %div3A_57 : vector<2000x1xf32> to vector<2000x128xf32>
    %sub3A_59 = arith.subf %add3A_54, %sub3A_58 : vector<2000x128xf32>
    %mul3A_60 = arith.mulf %sub3A_59, %sub3A_59 : vector<2000x128xf32>
    %reduce_sum3A_61 = arith.constant dense<0.000000e+00> : vector<2000xf32>
    %reduce_sum3A_62 = vector.multi_reduction <add>, %mul3A_60, %reduce_sum3A_61 [1] : vector<2000x128xf32> to vector<2000xf32>
    %broadcast_in_dim3A_63 = vector.shape_cast %reduce_sum3A_62 : vector<2000xf32> to vector<2000x1xf32>
    %div3A_64 = arith.constant 1.280000e+02 : f32
    %div3A_65 = vector.broadcast %div3A_64 : f32 to vector<2000x1xf32>
    %div3A_66 = arith.divf %broadcast_in_dim3A_63, %div3A_65 : vector<2000x1xf32>
    %add3A_67 = arith.constant 9.99999974E-6 : f32
    %add3A_68 = vector.broadcast %add3A_67 : f32 to vector<2000x1xf32>
    %add3A_69 = arith.addf %div3A_66, %add3A_68 : vector<2000x1xf32>
    %rsqrt3A = math.rsqrt %add3A_69 : vector<2000x1xf32>
    %mul3A_70 = vector.broadcast %rsqrt3A : vector<2000x1xf32> to vector<2000x128xf32>
    %mul3A_71 = arith.mulf %sub3A_59, %mul3A_70 : vector<2000x128xf32>
    %get3A_72 = arith.constant 0 : index
    %get3A_73 = arith.constant 0 : index
    %get3A_74 = vector.load %arg7[%get3A_72, %get3A_73] : memref<1x128xf32, #tpu.memory_space<vmem>>, vector<1x128xf32>
    %mul3A_75 = vector.broadcast %get3A_74 : vector<1x128xf32> to vector<2000x128xf32>
    %mul3A_76 = arith.mulf %mul3A_71, %mul3A_75 : vector<2000x128xf32>
    %get3A_77 = arith.constant 0 : index
    %get3A_78 = arith.constant 0 : index
    %get3A_79 = vector.load %arg8[%get3A_77, %get3A_78] : memref<1x128xf32, #tpu.memory_space<vmem>>, vector<1x128xf32>
    %add3A_80 = vector.broadcast %get3A_79 : vector<1x128xf32> to vector<2000x128xf32>
    %add3A_81 = arith.addf %mul3A_76, %add3A_80 : vector<2000x128xf32>
    %swap3A = arith.constant 0 : index
    %swap3A_82 = arith.constant 0 : index
    %swap3A_83 = vector.load %arg9[%swap3A, %swap3A_82] : memref<2000x128xf32, #tpu.memory_space<vmem>>, vector<2000x128xf32>
    tpu.vector_store %arg9[%swap3A, %swap3A_82], %add3A_81 {strides = array<i32>} : memref<2000x128xf32, #tpu.memory_space<vmem>>, vector<2000x128xf32>,
    return
  }
  func.func @transform_0(%arg0: i32) -> (i32, i32, i32) {
    %c0_i32 = arith.constant 0 : i32
    %c0_i32_0 = arith.constant 0 : i32
    %c0_i32_1 = arith.constant 0 : i32
    return %c0_i32, %arg0, %c0_i32_0 : i32, i32, i32
  }
  func.func @transform_1(%arg0: i32) -> (i32, i32) {
    %c0_i32 = arith.constant 0 : i32
    %c0_i32_0 = arith.constant 0 : i32
    return %arg0, %c0_i32 : i32, i32
  }
  func.func @transform_2(%arg0: i32) -> (i32, i32) {
    %c0_i32 = arith.constant 0 : i32
    %c0_i32_0 = arith.constant 0 : i32
    %c0_i32_1 = arith.constant 0 : i32
    return %c0_i32, %c0_i32_0 : i32, i32
  }
  func.func @transform_3(%arg0: i32) -> (i32, i32) {
    %c0_i32 = arith.constant 0 : i32
    %c0_i32_0 = arith.constant 0 : i32
    %c0_i32_1 = arith.constant 0 : i32
    return %c0_i32, %c0_i32_0 : i32, i32
  }
  func.func @transform_4(%arg0: i32) -> (i32, i32) {
    %c0_i32 = arith.constant 0 : i32
    %c0_i32_0 = arith.constant 0 : i32
    %c0_i32_1 = arith.constant 0 : i32
    return %c0_i32, %c0_i32_0 : i32, i32
  }
  func.func @transform_5(%arg0: i32) -> (i32, i32) {
    %c0_i32 = arith.constant 0 : i32
    %c0_i32_0 = arith.constant 0 : i32
    %c0_i32_1 = arith.constant 0 : i32
    return %c0_i32, %c0_i32_0 : i32, i32
  }
  func.func @transform_6(%arg0: i32) -> (i32, i32) {
    %c0_i32 = arith.constant 0 : i32
    %c0_i32_0 = arith.constant 0 : i32
    %c0_i32_1 = arith.constant 0 : i32
    return %c0_i32, %c0_i32_0 : i32, i32
  }
  func.func @transform_7(%arg0: i32) -> (i32, i32) {
    %c0_i32 = arith.constant 0 : i32
    %c0_i32_0 = arith.constant 0 : i32
    %c0_i32_1 = arith.constant 0 : i32
    return %c0_i32, %c0_i32_0 : i32, i32
  }
  func.func @transform_8(%arg0: i32) -> (i32, i32) {
    %c0_i32 = arith.constant 0 : i32
    %c0_i32_0 = arith.constant 0 : i32
    return %arg0, %c0_i32 : i32, i32
  }
}

</mosaic_0001>

<sc_bundles>
// kernel: kernel.4.cloned.1.call-start
scs
__scs_entry_jumppad:
0x0: {  	(pc) =	sbr.rel $0x88, $3  }
0x1: {  	(tag) =	ssettag $0x0;
	lr =	simm.s32 $0x1  }
0x2: {  	[smem:$0x3F99] =	sst lr;
	_ =	strace $0xD0000000  }
0x3: {  	_ = 	snop  }
0x4: {  	_ = 	snop  }
0x5: {  	_ = 	snop  }
0x6: {  	_ = 	snop  }
0x7: {  	_ = 	snop  }
__scs_overlays_trampoline_lowered:
0x8: {  	[smem:$0x3FA8] =	sst s0  }
0x9: {  	[smem:$0x3FA9] =	sst s1  }
0xa: {  	[smem:$0x3FAA] =	sst s2  }
0xb: {  	[smem:$0x3FAB] =	sst s3  }
0xc: {  	[smem:$0x3FAC] =	sst s4  }
0xd: {  	[smem:$0x3FAD] =	sst s5  }
0xe: {  	[smem:$0x3FAE] =	sst s6  }
0xf: {  	[smem:$0x3FAF] =	sst s7  }
0x10: {  	[smem:$0x3FB0] =	sst s8  }
0x11: {  	[smem:$0x3FB1] =	sst s9;
	s0 =	simm.s32 @!p0 $0x0  }
0x12: {  	s1 =	sld [smem:$0x3F97];
	s0 =	simm.s32 @p0 $0x1  }
0x13: {  	[smem:$0x3FB2] =	sst s0;
	s0 =	simm.s32 @!p1 $0x0  }
0x14: {  	s2 =	sld [smem:$0x3F96];
	s0 =	simm.s32 @p1 $0x1  }
0x15: {  	[smem:$0x3FB3] =	sst s0;
	s0 =	simm.s32 @!p2 $0x0  }
0x16: {  	s3 =	sld [smem:$0x3FDB];
	s0 =	simm.s32 @p2 $0x1  }
0x17: {  	s4 =	simm.s32 $0x1BF5;
	[smem:$0x3FB5] =	sst s0  }
0x18: {  	s0 =	sld [smem:$0x3F98];
	_ =	swait.ge [sflag:s4], $0x0  }
0x19: {  	s7 =	sld [smem:$0x3F99]  }
0x1a: {  	s8 =	sadd.s32 $0xFFFFE003, lr  }
0x1b: {  	s9 =	sadd.s32 $0xFFFFFEF7, lr;
	s5 =	simm.s32 $0xFFFFFFFF;
	p2 =	slt.u32 s8, $0xFFFFF086  }
0x1c: {  	p1 =	slt.u32 s9, $0xF7A;
	s5 =	simm.s32 @!p2 $0x0  }
0x1d: {  	s5 =	simm.s32 @p1 $0x1;
	p0 =	seq.s32 s7, s2  }
0x1e: {  	s7 =	smul.u32 @!p0 $0xF7A, s2;
	p2 =	seq.s32 @!p0 s5, $0x0  }
0x1f: {  	s9 =	smul.u32 $0xF7A, s1;
	s8 =	simm.s32 @!p0 $0x1BF5;
	p2 =	por !p2, p0  }
0x20: {  	[sflag:s8] =	ssyncset.s32 @!p0 $0xFFFFF086;
	s6 =	sadd.s32 @!p0 s3, s7;
	s7 =	simm.s32 @!p0 $0x108  }
0x21: {  	s3 =	sadd.s32 s3, s9;
	s6 =	sadd.s32 @!p0 $0x88, s6;
	s7 =	simm.s32 @p2 $0x1082  }
0x22: {  	[simem:s7], [sflag:s8] =	dma.local @!p0 [hbm:s6], $0xF7A  }
0x23: {  	s9 =	sor.u32 $0xD0000000, s2;
	s6 =	simm.s32 $0x108;
	_ =	swait.ge @!p0 [sflag:s8], $0x0  }
0x24: {  	s3 =	sadd.s32 $0x88, s3;
	s6 =	simm.s32 @!p1 $0x1082;
	[sflag:s4] =	ssyncset.s32 $0xFFFFF086  }
0x25: {  	[simem:s6], [sflag:s4] =	dma.local [hbm:s3], $0xF7A  }
0x26: {  	[smem:$0x3F99] =	sst s1;
	(tag) =	ssettag s2;
	_ =	strace s9  }
0x27: {  	s1 =	sld [smem:$0x3FA9]  }
0x28: {  	s2 =	sld [smem:$0x3FAA]  }
0x29: {  	s4 =	sld [smem:$0x3FAC]  }
0x2a: {  	p0 =	seq.s32 s5, $0x0;
	s5 =	sld [smem:$0x3FAD]  }
0x2b: {  	s6 =	sld [smem:$0x3FAE]  }
0x2c: {  	s7 =	sld [smem:$0x3FAF]  }
0x2d: {  	s3 =	simm.s32 $0x108;
	s8 =	sld [smem:$0x3FB0]  }
0x2e: {  	s3 =	simm.s32 @!p0 $0x1082;
	s9 =	sld [smem:$0x3FB1]  }
0x2f: {  	lr =	sadd.s32 s0, s3;
	s0 =	sld [smem:$0x3FA8]  }
0x30: {  	s3 =	sld [smem:$0x3FAB]  }
0x31: {  	[smem:$0x3FB4] =	sst s10  }
0x32: {  	s10 =	sld [smem:$0x3FB2];
	_ =	sdelay $0x3  }
0x33: {  	p0 =	seq.s32 s10, $0x1;
	s10 =	sld [smem:$0x3FB4];
	_ =	sdelay $0x3  }
0x34: {  	[smem:$0x3FB4] =	sst s10  }
0x35: {  	s10 =	sld [smem:$0x3FB3];
	_ =	sdelay $0x3  }
0x36: {  	p1 =	seq.s32 s10, $0x1;
	s10 =	sld [smem:$0x3FB4];
	_ =	sdelay $0x3  }
0x37: {  	[smem:$0x3FB4] =	sst s10  }
0x38: {  	s10 =	sld [smem:$0x3FB5]  }
0x39: {  	_ = 	snop;
	(pc) =	sbr.ind lr, $3  }
0x3a: {  	_ = 	snop  }
0x3b: {  	_ = 	snop  }
0x3c: {  	p2 =	seq.s32 s10, $0x1;
	s10 =	sld [smem:$0x3FB4]  }
0x3d: {  	_ =	shalt  }
0x3e: {  	_ =	shalt  }
0x3f: {  	_ =	shalt  }
0x40: {  	_ =	shalt  }
0x41: {  	_ =	shalt  }
0x42: {  	_ =	shalt  }
0x43: {  	_ =	shalt  }
0x44: {  	_ =	shalt  }
0x45: {  	_ =	shalt  }
0x46: {  	_ =	shalt  }
0x47: {  	_ =	shalt  }
0x48: {  	_ =	shalt  }
0x49: {  	_ =	shalt  }
0x4a: {  	_ =	shalt  }
0x4b: {  	_ =	shalt  }
0x4c: {  	_ =	shalt  }
0x4d: {  	_ =	shalt  }
0x4e: {  	_ =	shalt  }
0x4f: {  	_ =	shalt  }
0x50: {  	_ =	shalt  }
0x51: {  	_ =	shalt  }
0x52: {  	_ =	shalt  }
0x53: {  	_ =	shalt  }
0x54: {  	_ =	shalt  }
0x55: {  	_ =	shalt  }
0x56: {  	_ =	shalt  }
0x57: {  	_ =	shalt  }
0x58: {  	_ =	shalt  }
0x59: {  	_ =	shalt  }
0x5a: {  	_ =	shalt  }
0x5b: {  	_ =	shalt  }
0x5c: {  	_ =	shalt  }
0x5d: {  	_ =	shalt  }
0x5e: {  	_ =	shalt  }
0x5f: {  	_ =	shalt  }
0x60: {  	_ =	shalt  }
0x61: {  	_ =	shalt  }
0x62: {  	_ =	shalt  }
0x63: {  	_ =	shalt  }
0x64: {  	_ =	shalt  }
0x65: {  	_ =	shalt  }
0x66: {  	_ =	shalt  }
0x67: {  	_ =	shalt  }
0x68: {  	_ =	shalt  }
0x69: {  	_ =	shalt  }
0x6a: {  	_ =	shalt  }
0x6b: {  	_ =	shalt  }
0x6c: {  	_ =	shalt  }
0x6d: {  	_ =	shalt  }
0x6e: {  	_ =	shalt  }
0x6f: {  	_ =	shalt  }
0x70: {  	_ =	shalt  }
0x71: {  	_ =	shalt  }
0x72: {  	_ =	shalt  }
0x73: {  	_ =	shalt  }
0x74: {  	_ =	shalt  }
0x75: {  	_ =	shalt  }
0x76: {  	_ =	shalt  }
0x77: {  	_ =	shalt  }
0x78: {  	_ =	shalt  }
0x79: {  	_ =	shalt  }
0x7a: {  	_ =	shalt  }
0x7b: {  	_ =	shalt  }
0x7c: {  	_ =	shalt  }
0x7d: {  	_ =	shalt  }
0x7e: {  	_ =	shalt  }
0x7f: {  	_ =	shalt  }
0x80: {  	_ =	shalt  }
0x81: {  	_ =	shalt  }
0x82: {  	_ =	shalt  }
0x83: {  	_ =	shalt  }
0x84: {  	_ =	shalt  }
0x85: {  	_ =	shalt  }
0x86: {  	_ =	shalt  }
0x87: {  	_ =	shalt  }
.Lfunc_end0:
.L_simem_size_0:
called_computation_lowered:
.L_overlay_start_0:
0x88: {  	s2 =	sld [smem:$0x3FD9]  }
0x89: {  	s3 =	sld [smem:$0x3FFE];
	_ =	sdelay $0x1  }
0x8a: {  	s1 =	srdreg.scid  }
0x8b: {  	s0 =	sand.u32 $0x1, s1  }
0x8c: {  	s17 =	sshll.u32 s0, $0xA;
	s2 =	sadd.s32 s3, s2  }
0x8d: {  	s2 =	sadd.s32 s2, s17  }
0x8e: {  	[smem:$0x3FC0] =	sst s2  }
0x8f: {  	_ = 	snop  }
0x90: {  	s2 =	sld [smem:$0x3FC9]  }
0x91: {  	s18 =	sld [smem:$0x3FD0];
	(tm) =	ssettm $0x1  }
0x92: {  	s4 =	sld [smem:$0x3FFB];
	_ =	sdelay $0x3  }
0x93: {  	_ =	strace s4  }
0x94: {  	s4 =	sld [smem:$0x3FFC];
	_ =	sdelay $0x3  }
0x95: {  	_ =	strace s4  }
0x96: {  	s4 =	sld [smem:$0x3FFD];
	_ =	sdelay $0x3  }
0x97: {  	_ =	strace s4  }
0x98: {  	_ =	strace $0x8FFFFFFF  }
0x99: {  	s19 =	sld [smem:$0x3FDB];
	_ =	sdelay $0x1  }
0x9a: {  	s5 =	simm.s32 $_scs_section_size  }
0x9b: {  	s6 =	simm.s32 $_size__tile_overlayer_lowered;
	s7 =	simm.s32 $_tile_overlayer_lowered  }
0x9c: {  	s22 =	simm.s32 $0x1BFF;
	s21 =	sshll.u32 s7, $0x1;
	s4 =	sadd.s32 s5, s19  }
0x9d: {  	s8 =	simm.s32 $0x0;
	s20 =	sshll.u32 s6, $0x1;
	s6 =	sadd.s32 s21, s4  }
0x9e: {  	[timem:s8], [sflag:s22] =	dma.local [hbm:s6], s20  }
0x9f: {  	_ =	swait.ge [sflag:s22], s20  }
0xa0: {  	s5 =	ssub.s32 $0x0, s20;
	[sflag:s22] =	ssyncset.done $0x0  }
0xa1: {  	[sflag:s22] =	ssyncadd.s32 s5;
	_ =	sdelay $0x1  }
0xa2: {  	s23 =	simm.s32 $0x1B8B  }
0xa3: {  	_ =	swait.ge [sflag:s23], $0x1  }
0xa4: {  	[sflag:s23] =	ssyncset.done $0x0  }
0xa5: {  	s25 =	simm.s32 $0x1B8E;
	s24 =	sld [smem:$0x3FFE];
	[sflag:s23] =	ssyncadd.s32 $0xFFFFFFFF  }
0xa6: {  	s26 =	simm.s32 $execute0_lowered;
	[smem:$0x3FD2] =	sst s25  }
0xa7: {  	s6 =	sshll.u32 s26, $0x1;
	_ =	strace $0x80000046;
	[dreg:$0x1] =	wrdreg $0xFFFFFFFF  }
0xa8: {  	s28 =	simm.s32 $_size_execute0_lowered;
	s4 =	sadd.s32 s4, s6;
	[dreg:$0x0] =	wrdreg $0x0  }
0xa9: {  	s6 =	sshll.u32 s28, $0x1;
	[dreg:$0x2] =	wrdreg s4  }
0xaa: {  	[dreg:$0x3] =	wrdreg s6  }
0xab: {  	[dreg:$0x4] =	wrdreg $0xC0  }
0xac: {  	_ =	task [dreg:s8], $0x5FFFF  }
0xad: {  	[dreg:$0x1] =	wrdreg $0xFFFFFFFF  }
0xae: {  	[dreg:$0x0] =	wrdreg $0x60  }
0xaf: {  	[dreg:$0x2] =	wrdreg s2  }
0xb0: {  	[dreg:$0x3] =	wrdreg s24  }
0xb1: {  	[dreg:$0x4] =	wrdreg s18  }
0xb2: {  	[dreg:$0x5] =	wrdreg $0xB0000  }
0xb3: {  	[dreg:$0x6] =	wrdreg $0x9  }
0xb4: {  	_ =	task.clear_ibuf [dreg:s8], $0x7FFFF;
	_ =	strace $0x90000046  }
0xb5: {  	s29 =	simm.s32 $0x9;
	_ =	strace $0x80000048  }
0xb6: {  	_ =	swait.ge [sflag:s29], $0x1  }
0xb7: {  	[sflag:s29] =	ssyncadd.s32 $0xFFFFFFFF  }
0xb8: {  	_ =	strace $0x90000048  }
0xb9: {  	_ =	sfence  }
0xba: {  	s30 =	sld [smem:$0x0];
	_ =	sdelay $0x2  }
0xbb: {  	s31 =	sshll.u32 s1, $0xD;
	s1 =	sshrl.u32 s1, $0x2  }
0xbc: {  	s3 =	sand.u32 $0x4000, s31;
	s1 =	sadd.s32 s1, s30  }
0xbd: {  	s0 =	sor.u32 s3, s0;
	s1 =	sshll.u32 s1, $0x11  }
0xbe: {  	s0 =	sor.u32 s1, s0  }
0xbf: {  	s0 =	sadd.s32 $0x8F2B, s0  }
0xc0: {  	[sflag:s0] =	ssyncadd.remote.s32 $0x1  }
0xc1: {  	_ =	sfence.sel $0xFFFF  }
0xc2: {  	[dreg:$0x0] =	wrdreg $0xFFFFFFFF;
	(pc) =	sbr.abs _section_cstart, $3  }
0xc3: {  	[dreg:$0x1] =	wrdreg $0xFFFFFFFF  }
0xc4: {  	_ =	task.clear_ibuf [dreg:s8], $0x2FFFF;
	_ =	strace $0x9FFFFFFF  }
0xc5: {  	(tm) =	ssettm $0x7FFFFFFF  }
tec
execute0_lowered:
.L_overlay_start_1:
0x0: {  	(tag) =	ssettag $0x1  }
0x1: {  	s0 =	rddreg [dreg:$0x0]  }
0x2: {  	s2 =	rddreg [dreg:$0x1]  }
0x3: {  	s1 =	srdreg.scid;
	s9 =	rddreg [dreg:$0x2]  }
0x4: {  	s3 =	rddreg [dreg:$0x3];
	s4 =	simm.s32 $0x0;
	s28 =	simm.s32 $0x5  }
0x5: {  	s29 =	simm.s32 $0xC00;
	s30 =	simm.s32 $0x3;
	s10 =	sand.u32 $0x1, s1  }
0x6: {  	s31 =	simm.s32 $0x80;
	s1 =	stileid.u32;
	s5 =	smul.u32 $0x13C000, s10  }
0x7: {  	[smem:$0x7FF] =	sst s4;
	s11 =	sadd.s32 $0x1200, s2;
	s6 =	smul.u32 $0x13C00, s1  }
0x8: {  	s13 =	smul.u32 $0x4F000, s1;
	_ =	strace $0x80000047;
	s7 =	ssub.s32 $0x2, s10  }
0x9: {  	s12 =	smul.u32 $0x4800, s1;
	p0 =	seq.s32 s10, $0x1;
	s25 =	sshll.u32 s1, $0x8  }
0xa: {  	s15 =	sshrl.u32 s7, $0x1;
	s5 =	sadd.s32 s6, s5;
	s14 =	sshrl.u32 s13, $0x2  }
0xb: {  	s13 =	ssub.s32 s7, s15;
	s12 =	sshrl.u32 s12, $0x3;
	s15 =	simm.s32 $0x1780  }
0xc: {  	s5 =	sshrl.u32 s5, $0x3;
	s17 =	sadd.s32 $0x180, s12;
	s19 =	sadd.s32 $0x300, s12  }
0xd: {  	s21 =	sadd.s32 $0x480, s12;
	s23 =	sadd.s32 $0x600, s12;
	s18 =	sadd.s32 s11, s17  }
0xe: {  	s12 =	sadd.s32 $0x780, s12;
	s10 =	sadd.s32 s9, s17;
	[dreg:$0x7] =	wrdreg s18  }
0xf: {  	s2 =	sadd.s32 s5, s2;
	s20 =	sadd.s32 s11, s19;
	[dreg:$0x8] =	wrdreg s10  }
0x10: {  	s5 =	sadd.s32 s14, s3;
	s22 =	sadd.s32 s11, s21;
	[dreg:$0x9] =	wrdreg s20  }
0x11: {  	s14 =	smul.u32 $0x900, s1;
	s24 =	sadd.s32 s11, s23;
	[dreg:$0xb] =	wrdreg s22  }
0x12: {  	s26 =	sadd.s32 s11, s12;
	s12 =	sadd.s32 s9, s12;
	[dreg:$0xd] =	wrdreg s24  }
0x13: {  	s6 =	sadd.s32 $0x4000, s5;
	s7 =	sadd.s32 $0x8000, s5;
	[dreg:$0xf] =	wrdreg s26  }
0x14: {  	s8 =	sadd.s32 $0xC000, s5;
	s10 =	sadd.s32 s9, s21;
	[dreg:$0x10] =	wrdreg s12  }
0x15: {  	s24 =	sadd.s32 $0xB200, s2;
	s26 =	simm.s32 $0x3000;
	s2 =	simm.s32 $0x1  }
0x16: {  	s12 =	simm.s32 $0x2400;
	s18 =	simm.s32 $0x2F00;
	s20 =	simm.s32 $0x0  }
0x17: {  	s16 =	sadd.s32 s11, s14;
	s14 =	sadd.s32 s9, s14;
	[dreg:$0xc] =	wrdreg s10  }
0x18: {  	s10 =	sor.u32 $0x9000, s25;
	s25 =	smax.u32 s13, $0x1;
	[dreg:$0x5] =	wrdreg s16  }
0x19: {  	s13 =	simm.s32 $0xB80;
	[dreg:$0x6] =	wrdreg s14;
	s14 =	sadd.s32 s9, s19  }
.Ltmp0:
0x1a: {  	s11 =	sadd.s32 s11, s10;
	s16 =	simm.s32 $0x4;
	(pc) =	sbr.rel .LBB2_1-.Ltmp0, $4  }
0x1b: {  	s19 =	simm.s32 $0x2F80;
	[dreg:$0xa] =	wrdreg s14;
	s14 =	sadd.s32 s9, s23  }
0x1c: {  	[dreg:$0x11] =	wrdreg s11;
	s9 =	sadd.s32 s9, s10;
	s23 =	sadd.s32 $0x10000, s5  }
0x1d: {  	s10 =	simm.s32 $0x2;
	s11 =	simm.s32 $0x1800;
	[dreg:$0xe] =	wrdreg s14  }
0x1e: {  	v0 =	vimm.f32 $0.0e+00;
	[dreg:$0x12] =	wrdreg s9;
	s9 =	simm.s32 $0x7000;
	s14 =	simm.s32 $0x1700  }
.LBB2_17:
0x1f: {  	s17 =	rddreg [dreg:$0x11]  }
0x20: {  	[tilespmem:s4], [sflag:$0x3] =	stream.linear.gather [hbm4b:s17+s4], $0x800, $0x38;
	[tilespmem:$0x1EC00] =	vst v63  }
0x21: {  	s22 =	rddreg [dreg:$0x12]  }
0x22: {  	[tilespmem:s29], [sflag:$0x3] =	stream.linear.gather [hbm4b:s22+s4], $0x800, $0x38;
	[tilespmem:$0x1EC00] =	vst v63  }
0x23: {  	_ =	swait.ge [sflag:s30], $0x800  }
0x24: {  	[sflag:s30] =	ssyncset.done $0x0  }
0x25: {  	[sflag:s30] =	ssyncadd.s32 $0xFFFFF800  }
0x26: {  	_ =	swait.ge [sflag:s30], $0x800  }
0x27: {  	[sflag:s30] =	ssyncset.done $0x0  }
0x28: {  	[sflag:s30] =	ssyncadd.s32 $0xFFFFF800  }
0x29: {  	[tilespmem:s26], [sflag:$0x1] =	stream.indirect.gather [hbm4b:s0+s31], $0x80, s4, s31, $0xb8;
	[tilespmem:$0x1EC00] =	vst v63  }
0x2a: {  	_ =	swait.ge [sflag:s2], $0x4000  }
0x2b: {  	[sflag:s2] =	ssyncset.done $0x0  }
0x2c: {  	[sflag:s2] =	ssyncadd.s32 $0xFFFFC000  }
0x2d: {  	[tilespmem:s9], [sflag:$0x2] =	stream.indirect.gather [hbm4b:s0+s31], $0x80, s31, s31, $0xb8;
	[tilespmem:$0x1EC00] =	vst v63  }
0x2e: {  	_ = 	snop  }
0x2f: {  	[spmem:s3] =	stream.indirect.scatter.add.f32 [tilespmem:s26], [sflag:$0x5], $0x80, s29, s31, $0xb8;
	[tilespmem:$0x1EC00] =	vst v63  }
0x30: {  	_ =	swait.ge [sflag:s28], $0x4000  }
0x31: {  	[sflag:s28] =	ssyncset.done $0x0  }
0x32: {  	[sflag:s28] =	ssyncadd.s32 $0xFFFFC000  }
0x33: {  	_ =	swait.ge [sflag:s10], $0x4000  }
0x34: {  	[sflag:s10] =	ssyncset.done $0x0  }
0x35: {  	s21 =	simm.s32 $0x100;
	[sflag:s10] =	ssyncadd.s32 $0xFFFFC000  }
0x36: {  	[tilespmem:s26], [sflag:$0x1] =	stream.indirect.gather [hbm4b:s0+s31], $0x80, s21, s31, $0xb8;
	[tilespmem:$0x1EC00] =	vst v63  }
0x37: {  	s22 =	simm.s32 $0xC80  }
0x38: {  	[spmem:s3] =	stream.indirect.scatter.add.f32 [tilespmem:s9], [sflag:$0x5], $0x80, s22, s31, $0xb8;
	[tilespmem:$0x1EC00] =	vst v63  }
0x39: {  	_ =	swait.ge [sflag:s28], $0x4000  }
0x3a: {  	[sflag:s28] =	ssyncset.done $0x0  }
0x3b: {  	[sflag:s28] =	ssyncadd.s32 $0xFFFFC000  }
0x3c: {  	_ =	swait.ge [sflag:s2], $0x4000  }
0x3d: {  	[sflag:s2] =	ssyncset.done $0x0  }
0x3e: {  	s21 =	simm.s32 $0x180;
	[sflag:s2] =	ssyncadd.s32 $0xFFFFC000  }
0x3f: {  	[tilespmem:s9], [sflag:$0x2] =	stream.indirect.gather [hbm4b:s0+s31], $0x80, s21, s31, $0xb8;
	[tilespmem:$0x1EC00] =	vst v63  }
0x40: {  	s22 =	simm.s32 $0xD00  }
0x41: {  	[spmem:s3] =	stream.indirect.scatter.add.f32 [tilespmem:s26], [sflag:$0x5], $0x80, s22, s31, $0xb8;
	[tilespmem:$0x1EC00] =	vst v63  }
0x42: {  	_ =	swait.ge [sflag:s28], $0x4000  }
0x43: {  	[sflag:s28] =	ssyncset.done $0x0  }
0x44: {  	[sflag:s28] =	ssyncadd.s32 $0xFFFFC000  }
0x45: {  	_ =	swait.ge [sflag:s10], $0x4000  }
0x46: {  	[sflag:s10] =	ssyncset.done $0x0  }
0x47: {  	s21 =	simm.s32 $0x200;
	[sflag:s10] =	ssyncadd.s32 $0xFFFFC000  }
0x48: {  	[tilespmem:s26], [sflag:$0x1] =	stream.indirect.gather [hbm4b:s0+s31], $0x80, s21, s31, $0xb8;
	[tilespmem:$0x1EC00] =	vst v63  }
0x49: {  	s22 =	simm.s32 $0xD80  }
0x4a: {  	[spmem:s3] =	stream.indirect.scatter.add.f32 [tilespmem:s9], [sflag:$0x5], $0x80, s22, s31, $0xb8;
	[tilespmem:$0x1EC00] =	vst v63  }
0x4b: {  	_ =	swait.ge [sflag:s28], $0x4000  }
0x4c: {  	[sflag:s28] =	ssyncset.done $0x0  }
0x4d: {  	[sflag:s28] =	ssyncadd.s32 $0xFFFFC000  }
0x4e: {  	_ =	swait.ge [sflag:s2], $0x4000  }
0x4f: {  	[sflag:s2] =	ssyncset.done $0x0  }
0x50: {  	s21 =	simm.s32 $0x280;
	[sflag:s2] =	ssyncadd.s32 $0xFFFFC000  }
0x51: {  	[tilespmem:s9], [sflag:$0x2] =	stream.indirect.gather [hbm4b:s0+s31], $0x80, s21, s31, $0xb8;
	[tilespmem:$0x1EC00] =	vst v63  }
0x52: {  	s22 =	simm.s32 $0xE00  }
0x53: {  	[spmem:s3] =	stream.indirect.scatter.add.f32 [tilespmem:s26], [sflag:$0x5], $0x80, s22, s31, $0xb8;
	[tilespmem:$0x1EC00] =	vst v63  }
0x54: {  	_ =	swait.ge [sflag:s28], $0x4000  }
0x55: {  	[sflag:s28] =	ssyncset.done $0x0  }
0x56: {  	[sflag:s28] =	ssyncadd.s32 $0xFFFFC000  }
0x57: {  	_ =	swait.ge [sflag:s10], $0x4000  }
0x58: {  	[sflag:s10] =	ssyncset.done $0x0  }
0x59: {  	s21 =	simm.s32 $0x300;
	[sflag:s10] =	ssyncadd.s32 $0xFFFFC000  }
0x5a: {  	[tilespmem:s26], [sflag:$0x1] =	stream.indirect.gather [hbm4b:s0+s31], $0x80, s21, s31, $0xb8;
	[tilespmem:$0x1EC00] =	vst v63  }
0x5b: {  	s22 =	simm.s32 $0xE80  }
0x5c: {  	[spmem:s3] =	stream.indirect.scatter.add.f32 [tilespmem:s9], [sflag:$0x5], $0x80, s22, s31, $0xb8;
	[tilespmem:$0x1EC00] =	vst v63  }
0x5d: {  	_ =	swait.ge [sflag:s28], $0x4000  }
0x5e: {  	[sflag:s28] =	ssyncset.done $0x0  }
0x5f: {  	[sflag:s28] =	ssyncadd.s32 $0xFFFFC000  }
0x60: {  	_ =	swait.ge [sflag:s2], $0x4000  }
0x61: {  	[sflag:s2] =	ssyncset.done $0x0  }
0x62: {  	s21 =	simm.s32 $0x380;
	[sflag:s2] =	ssyncadd.s32 $0xFFFFC000  }
0x63: {  	[tilespmem:s9], [sflag:$0x2] =	stream.indirect.gather [hbm4b:s0+s31], $0x80, s21, s31, $0xb8;
	[tilespmem:$0x1EC00] =	vst v63  }
0x64: {  	s22 =	simm.s32 $0xF00  }
0x65: {  	[spmem:s3] =	stream.indirect.scatter.add.f32 [tilespmem:s26], [sflag:$0x5], $0x80, s22, s31, $0xb8;
	[tilespmem:$0x1EC00] =	vst v63  }
0x66: {  	_ =	swait.ge [sflag:s28], $0x4000  }
0x67: {  	[sflag:s28] =	ssyncset.done $0x0  }
0x68: {  	[sflag:s28] =	ssyncadd.s32 $0xFFFFC000  }
0x69: {  	_ =	swait.ge [sflag:s10], $0x4000  }
0x6a: {  	[sflag:s10] =	ssyncset.done $0x0  }
0x6b: {  	s21 =	simm.s32 $0x400;
	[sflag:s10] =	ssyncadd.s32 $0xFFFFC000  }
0x6c: {  	[tilespmem:s26], [sflag:$0x1] =	stream.indirect.gather [hbm4b:s0+s31], $0x80, s21, s31, $0xb8;
	[tilespmem:$0x1EC00] =	vst v63  }
0x6d: {  	s22 =	simm.s32 $0xF80  }
0x6e: {  	[spmem:s3] =	stream.indirect.scatter.add.f32 [tilespmem:s9], [sflag:$0x5], $0x80, s22, s31, $0xb8;
	[tilespmem:$0x1EC00] =	vst v63  }
0x6f: {  	_ =	swait.ge [sflag:s28], $0x4000  }
0x70: {  	[sflag:s28] =	ssyncset.done $0x0  }
0x71: {  	[sflag:s28] =	ssyncadd.s32 $0xFFFFC000  }
0x72: {  	_ =	swait.ge [sflag:s2], $0x4000  }
0x73: {  	[sflag:s2] =	ssyncset.done $0x0  }
0x74: {  	s21 =	simm.s32 $0x480;
	[sflag:s2] =	ssyncadd.s32 $0xFFFFC000  }
0x75: {  	[tilespmem:s9], [sflag:$0x2] =	stream.indirect.gather [hbm4b:s0+s31], $0x80, s21, s31, $0xb8;
	[tilespmem:$0x1EC00] =	vst v63  }
0x76: {  	s22 =	simm.s32 $0x1000  }
0x77: {  	[spmem:s3] =	stream.indirect.scatter.add.f32 [tilespmem:s26], [sflag:$0x5], $0x80, s22, s31, $0xb8;
	[tilespmem:$0x1EC00] =	vst v63  }
0x78: {  	_ =	swait.ge [sflag:s28], $0x4000  }
0x79: {  	[sflag:s28] =	ssyncset.done $0x0  }
0x7a: {  	[sflag:s28] =	ssyncadd.s32 $0xFFFFC000  }
0x7b: {  	_ =	swait.ge [sflag:s10], $0x4000  }
0x7c: {  	[sflag:s10] =	ssyncset.done $0x0  }
0x7d: {  	s21 =	simm.s32 $0x500;
	[sflag:s10] =	ssyncadd.s32 $0xFFFFC000  }
0x7e: {  	[tilespmem:s26], [sflag:$0x1] =	stream.indirect.gather [hbm4b:s0+s31], $0x80, s21, s31, $0xb8;
	[tilespmem:$0x1EC00] =	vst v63  }
0x7f: {  	s22 =	simm.s32 $0x1080  }
0x80: {  	[spmem:s3] =	stream.indirect.scatter.add.f32 [tilespmem:s9], [sflag:$0x5], $0x80, s22, s31, $0xb8;
	[tilespmem:$0x1EC00] =	vst v63  }
0x81: {  	_ =	swait.ge [sflag:s28], $0x4000  }
0x82: {  	[sflag:s28] =	ssyncset.done $0x0  }
0x83: {  	[sflag:s28] =	ssyncadd.s32 $0xFFFFC000  }
0x84: {  	_ =	swait.ge [sflag:s2], $0x4000  }
0x85: {  	[sflag:s2] =	ssyncset.done $0x0  }
0x86: {  	s21 =	simm.s32 $0x580;
	[sflag:s2] =	ssyncadd.s32 $0xFFFFC000  }
0x87: {  	[tilespmem:s9], [sflag:$0x2] =	stream.indirect.gather [hbm4b:s0+s31], $0x80, s21, s31, $0xb8;
	[tilespmem:$0x1EC00] =	vst v63  }
0x88: {  	s22 =	simm.s32 $0x1100  }
0x89: {  	[spmem:s3] =	stream.indirect.scatter.add.f32 [tilespmem:s26], [sflag:$0x5], $0x80, s22, s31, $0xb8;
	[tilespmem:$0x1EC00] =	vst v63  }
0x8a: {  	_ =	swait.ge [sflag:s28], $0x4000  }
0x8b: {  	[sflag:s28] =	ssyncset.done $0x0  }
0x8c: {  	[sflag:s28] =	ssyncadd.s32 $0xFFFFC000  }
0x8d: {  	_ =	swait.ge [sflag:s10], $0x4000  }
0x8e: {  	[sflag:s10] =	ssyncset.done $0x0  }
0x8f: {  	s21 =	simm.s32 $0x600;
	[sflag:s10] =	ssyncadd.s32 $0xFFFFC000  }
0x90: {  	[tilespmem:s26], [sflag:$0x1] =	stream.indirect.gather [hbm4b:s0+s31], $0x80, s21, s31, $0xb8;
	[tilespmem:$0x1EC00] =	vst v63  }
0x91: {  	s22 =	simm.s32 $0x1180  }
0x92: {  	[spmem:s3] =	stream.indirect.scatter.add.f32 [tilespmem:s9], [sflag:$0x5], $0x80, s22, s31, $0xb8;
	[tilespmem:$0x1EC00] =	vst v63  }
0x93: {  	_ =	swait.ge [sflag:s28], $0x4000  }
0x94: {  	[sflag:s28] =	ssyncset.done $0x0  }
0x95: {  	[sflag:s28] =	ssyncadd.s32 $0xFFFFC000  }
0x96: {  	_ =	swait.ge [sflag:s2], $0x4000  }
0x97: {  	[sflag:s2] =	ssyncset.done $0x0  }
0x98: {  	s21 =	simm.s32 $0x680;
	[sflag:s2] =	ssyncadd.s32 $0xFFFFC000  }
0x99: {  	[tilespmem:s9], [sflag:$0x2] =	stream.indirect.gather [hbm4b:s0+s31], $0x80, s21, s31, $0xb8;
	[tilespmem:$0x1EC00] =	vst v63  }
0x9a: {  	s22 =	simm.s32 $0x1200  }
0x9b: {  	[spmem:s3] =	stream.indirect.scatter.add.f32 [tilespmem:s26], [sflag:$0x5], $0x80, s22, s31, $0xb8;
	[tilespmem:$0x1EC00] =	vst v63  }
0x9c: {  	_ =	swait.ge [sflag:s28], $0x4000  }
0x9d: {  	[sflag:s28] =	ssyncset.done $0x0  }
0x9e: {  	[sflag:s28] =	ssyncadd.s32 $0xFFFFC000  }
0x9f: {  	_ =	swait.ge [sflag:s10], $0x4000  }
0xa0: {  	[sflag:s10] =	ssyncset.done $0x0  }
0xa1: {  	s21 =	simm.s32 $0x700;
	[sflag:s10] =	ssyncadd.s32 $0xFFFFC000  }
0xa2: {  	[tilespmem:s26], [sflag:$0x1] =	stream.indirect.gather [hbm4b:s0+s31], $0x80, s21, s31, $0xb8;
	[tilespmem:$0x1EC00] =	vst v63  }
0xa3: {  	s22 =	simm.s32 $0x1280  }
0xa4: {  	[spmem:s3] =	stream.indirect.scatter.add.f32 [tilespmem:s9], [sflag:$0x5], $0x80, s22, s31, $0xb8;
	[tilespmem:$0x1EC00] =	vst v63  }
0xa5: {  	_ =	swait.ge [sflag:s28], $0x4000  }
0xa6: {  	s17 =	simm.s32 $0x780;
	[sflag:s28] =	ssyncset.done $0x0  }
0xa7: {  	s21 =	simm.s32 $0x1380;
	s22 =	simm.s32 $0x1300;
	[sflag:s28] =	ssyncadd.s32 $0xFFFFC000  }
.LBB2_18:
0xa8: {  	_ =	swait.ge [sflag:s2], $0x4000  }
0xa9: {  	[sflag:s2] =	ssyncset.done $0x0  }
0xaa: {  	[sflag:s2] =	ssyncadd.s32 $0xFFFFC000  }
0xab: {  	[tilespmem:s9], [sflag:$0x2] =	stream.indirect.gather [hbm4b:s0+s31], $0x80, s17, s31, $0xb8;
	[tilespmem:$0x1EC00] =	vst v63  }
0xac: {  	_ = 	snop  }
0xad: {  	[spmem:s3] =	stream.indirect.scatter.add.f32 [tilespmem:s26], [sflag:$0x5], $0x80, s22, s31, $0xb8;
	[tilespmem:$0x1EC00] =	vst v63  }
0xae: {  	_ =	swait.ge [sflag:s28], $0x4000  }
0xaf: {  	[sflag:s28] =	ssyncset.done $0x0  }
0xb0: {  	[sflag:s28] =	ssyncadd.s32 $0xFFFFC000  }
0xb1: {  	_ =	swait.ge [sflag:s10], $0x4000  }
0xb2: {  	[sflag:s10] =	ssyncset.done $0x0  }
0xb3: {  	[sflag:s10] =	ssyncadd.s32 $0xFFFFC000  }
0xb4: {  	[spmem:s3] =	stream.indirect.scatter.add.f32 [tilespmem:s9], [sflag:$0x5], $0x80, s21, s31, $0xb8;
	[tilespmem:$0x1EC00] =	vst v63  }
0xb5: {  	s20 =	sadd.s32 $0x1, s20;
	_ =	swait.ge [sflag:s28], $0x4000  }
0xb6: {  	p1 =	sne.s32 s20, s25;
	[sflag:s28] =	ssyncset.done $0x0  }
0xb7: {  	s22 =	sshrl.u32 s5, $0x3;
	s21 =	sshll.u32 s1, $0x6;
	[sflag:s28] =	ssyncadd.s32 $0xFFFFC000  }
.Ltmp1:
0xb8: {  	s17 =	sor.u32 $0x1C05, s21;
	[bflag:$0x0] =	sbarrier.arrive $0xFFFF;
	(pc) =	sbr.rel @!p1 .LBB2_19-.Ltmp1, $4  }
0xb9: {  	[hbm:s24], [sflag:s17] =	dma.local [spmem:s22], $0x2780  }
0xba: {  	_ =	swait.ge [sflag:s28], $0x2780  }
0xbb: {  	[sflag:s28] =	ssyncset.done $0x0  }
0xbc: {  	[sflag:s28] =	ssyncadd.s32 $0xFFFFD880  }
.LBB2_1:
0xbd: {  	s21 =	simm.s32 $0x0;
	s22 =	simm.s32 $0x200  }
.LBB2_2:
0xbe: {  	p1 =	sne.s32 s22, $0xFE00;
	[tilespmem:s21+$0x3070] =	vst v0  }
0xbf: {  	[tilespmem:s21+$0x3000] =	vst v0  }
0xc0: {  	[tilespmem:s21+$0x3010] =	vst v0  }
.Ltmp2:
0xc1: {  	[tilespmem:s21+$0x3020] =	vst v0;
	(pc) =	sbr.rel @p1 .LBB2_2-.Ltmp2, $4  }
0xc2: {  	[tilespmem:s21+$0x3030] =	vst v0  }
0xc3: {  	[tilespmem:s21+$0x3040] =	vst v0  }
0xc4: {  	[tilespmem:s21+$0x3050] =	vst v0  }
0xc5: {  	[tilespmem:s21+$0x3060] =	vst v0;
	s21 =	sshra.s32 s22, $0x2;
	s22 =	sadd.s32 $0x200, s22  }
0xc6: {  	[tilespmem:s21+$0x3070] =	vst v0  }
0xc7: {  	[tilespmem:s21+$0x3000] =	vst v0  }
0xc8: {  	[tilespmem:s21+$0x3010] =	vst v0  }
0xc9: {  	[tilespmem:s21+$0x3020] =	vst v0  }
0xca: {  	[tilespmem:s21+$0x3030] =	vst v0  }
0xcb: {  	[tilespmem:s21+$0x3040] =	vst v0  }
0xcc: {  	[tilespmem:s21+$0x3050] =	vst v0  }
0xcd: {  	[tilespmem:s21+$0x3060] =	vst v0  }
0xce: {  	[spmem:s5] =	stream.linear.scatter [tilespmem:s26], [sflag:$0x5], $0x4000, $0x38;
	[tilespmem:$0x1EC00] =	vst v63  }
0xcf: {  	_ =	swait.ge [sflag:s28], $0x4000  }
0xd0: {  	[sflag:s28] =	ssyncset.done $0x0  }
0xd1: {  	[sflag:s28] =	ssyncadd.s32 $0xFFFFC000  }
0xd2: {  	[spmem:s6] =	stream.linear.scatter [tilespmem:s26], [sflag:$0x5], $0x4000, $0x38;
	[tilespmem:$0x1EC00] =	vst v63  }
0xd3: {  	_ =	swait.ge [sflag:s28], $0x4000  }
0xd4: {  	[sflag:s28] =	ssyncset.done $0x0  }
0xd5: {  	[sflag:s28] =	ssyncadd.s32 $0xFFFFC000  }
0xd6: {  	[spmem:s7] =	stream.linear.scatter [tilespmem:s26], [sflag:$0x5], $0x4000, $0x38;
	[tilespmem:$0x1EC00] =	vst v63  }
0xd7: {  	_ =	swait.ge [sflag:s28], $0x4000  }
0xd8: {  	[sflag:s28] =	ssyncset.done $0x0  }
0xd9: {  	[sflag:s28] =	ssyncadd.s32 $0xFFFFC000  }
0xda: {  	[spmem:s8] =	stream.linear.scatter [tilespmem:s26], [sflag:$0x5], $0x4000, $0x38;
	[tilespmem:$0x1EC00] =	vst v63  }
0xdb: {  	_ =	swait.ge [sflag:s28], $0x4000  }
0xdc: {  	[sflag:s28] =	ssyncset.done $0x0  }
0xdd: {  	[sflag:s28] =	ssyncadd.s32 $0xFFFFC000  }
0xde: {  	[spmem:s23] =	stream.linear.scatter [tilespmem:s26], [sflag:$0x5], $0x3C00, $0x38;
	[tilespmem:$0x1EC00] =	vst v63  }
.Ltmp3:
0xdf: {  	_ =	swait.ge [sflag:s28], $0x3C00;
	(pc) =	sbr.rel @p0 .LBB2_17-.Ltmp3, $3  }
0xe0: {  	[sflag:s28] =	ssyncset.done $0x0  }
0xe1: {  	[sflag:s28] =	ssyncadd.s32 $0xFFFFC400  }
0xe2: {  	[bflag:$0x0] =	sbarrier.arrive $0xFFFF;
	_ =	sdelay $0x1  }
0xe3: {  	s17 =	simm.s32 $0x0;
	s21 =	rddreg [dreg:$0x5]  }
0xe4: {  	[tilespmem:s17], [sflag:$0x3] =	stream.linear.gather [hbm4b:s21+s17], $0xC00, $0x38;
	[tilespmem:$0x1EC00] =	vst v63  }
0xe5: {  	s22 =	rddreg [dreg:$0x6]  }
0xe6: {  	[tilespmem:s29], [sflag:$0x3] =	stream.linear.gather [hbm4b:s22+s17], $0xC00, $0x38;
	[tilespmem:$0x1EC00] =	vst v63  }
0xe7: {  	_ =	swait.ge [sflag:s30], $0xC00  }
0xe8: {  	[sflag:s30] =	ssyncset.done $0x0  }
0xe9: {  	[sflag:s30] =	ssyncadd.s32 $0xFFFFF400  }
0xea: {  	_ =	swait.ge [sflag:s30], $0xC00  }
0xeb: {  	[sflag:s30] =	ssyncset.done $0x0  }
0xec: {  	s22 =	rddreg [dreg:$0x7];
	[sflag:s30] =	ssyncadd.s32 $0xFFFFF400  }
0xed: {  	[tilespmem:s11], [sflag:$0x4] =	stream.linear.gather [hbm4b:s22+s17], $0xC00, $0x38;
	[tilespmem:$0x1EC00] =	vst v63  }
0xee: {  	s22 =	rddreg [dreg:$0x8]  }
0xef: {  	[tilespmem:s12], [sflag:$0x4] =	stream.linear.gather [hbm4b:s22+s17], $0xC00, $0x38;
	[tilespmem:$0x1EC00] =	vst v63  }
0xf0: {  	_ = 	snop  }
0xf1: {  	[tilespmem:s26], [sflag:$0x1] =	stream.indirect.gather [hbm4b:s0+s31], $0x80, s17, s31, $0xb8;
	[tilespmem:$0x1EC00] =	vst v63  }
0xf2: {  	_ =	swait.ge [sflag:s2], $0x4000  }
0xf3: {  	[sflag:s2] =	ssyncset.done $0x0  }
0xf4: {  	s21 =	simm.s32 $0x80;
	[sflag:s2] =	ssyncadd.s32 $0xFFFFC000  }
0xf5: {  	[tilespmem:s9], [sflag:$0x2] =	stream.indirect.gather [hbm4b:s0+s31], $0x80, s21, s31, $0xb8;
	[tilespmem:$0x1EC00] =	vst v63  }
0xf6: {  	s22 =	simm.s32 $0xC00  }
0xf7: {  	[spmem:s3] =	stream.indirect.scatter.add.f32 [tilespmem:s26], [sflag:$0x5], $0x80, s22, s31, $0xb8;
	[tilespmem:$0x1EC00] =	vst v63  }
0xf8: {  	_ =	swait.ge [sflag:s28], $0x4000  }
0xf9: {  	[sflag:s28] =	ssyncset.done $0x0  }
0xfa: {  	[sflag:s28] =	ssyncadd.s32 $0xFFFFC000  }
0xfb: {  	_ =	swait.ge [sflag:s10], $0x4000  }
0xfc: {  	[sflag:s10] =	ssyncset.done $0x0  }
0xfd: {  	s21 =	simm.s32 $0x100;
	[sflag:s10] =	ssyncadd.s32 $0xFFFFC000  }
0xfe: {  	[tilespmem:s26], [sflag:$0x1] =	stream.indirect.gather [hbm4b:s0+s31], $0x80, s21, s31, $0xb8;
	[tilespmem:$0x1EC00] =	vst v63  }
0xff: {  	s22 =	simm.s32 $0xC80  }
0x100: {  	[spmem:s3] =	stream.indirect.scatter.add.f32 [tilespmem:s9], [sflag:$0x5], $0x80, s22, s31, $0xb8;
	[tilespmem:$0x1EC00] =	vst v63  }
0x101: {  	_ =	swait.ge [sflag:s28], $0x4000  }
0x102: {  	s21 =	simm.s32 $0x400;
	[sflag:s28] =	ssyncset.done $0x0  }
.LBB2_5:
0x103: {  	p1 =	sne.s32 s21, $0x2800  }
0x104: {  	[sflag:s28] =	ssyncadd.s32 $0xFFFFC000;
	s17 =	smov.u32 s21;
	s21 =	sadd.s32 $0x400, s21  }
0x105: {  	_ = 	snop  }
0x106: {  	_ =	swait.ge [sflag:s2], $0x4000  }
0x107: {  	s17 =	sshra.s32 s17, $0x2;
	[sflag:s2] =	ssyncset.done $0x0  }
0x108: {  	s22 =	sadd.s32 $0x80, s17;
	[sflag:s2] =	ssyncadd.s32 $0xFFFFC000  }
0x109: {  	[tilespmem:s9], [sflag:$0x2] =	stream.indirect.gather [hbm4b:s0+s31], $0x80, s22, s31, $0xb8;
	[tilespmem:$0x1EC00] =	vst v63  }
0x10a: {  	s22 =	sadd.s32 $0xC00, s17  }
0x10b: {  	[spmem:s3] =	stream.indirect.scatter.add.f32 [tilespmem:s26], [sflag:$0x5], $0x80, s22, s31, $0xb8;
	[tilespmem:$0x1EC00] =	vst v63  }
0x10c: {  	_ =	swait.ge [sflag:s28], $0x4000  }
0x10d: {  	[sflag:s28] =	ssyncset.done $0x0  }
0x10e: {  	[sflag:s28] =	ssyncadd.s32 $0xFFFFC000  }
0x10f: {  	_ =	swait.ge [sflag:s10], $0x4000  }
0x110: {  	[sflag:s10] =	ssyncset.done $0x0  }
0x111: {  	s22 =	sadd.s32 $0x100, s17;
	[sflag:s10] =	ssyncadd.s32 $0xFFFFC000  }
0x112: {  	[tilespmem:s26], [sflag:$0x1] =	stream.indirect.gather [hbm4b:s0+s31], $0x80, s22, s31, $0xb8;
	[tilespmem:$0x1EC00] =	vst v63  }
.Ltmp4:
0x113: {  	_ = 	snop;
	(pc) =	sbr.rel @p1 .LBB2_5-.Ltmp4, $4  }
0x114: {  	s17 =	sadd.s32 $0xC80, s17  }
0x115: {  	[spmem:s3] =	stream.indirect.scatter.add.f32 [tilespmem:s9], [sflag:$0x5], $0x80, s17, s31, $0xb8;
	[tilespmem:$0x1EC00] =	vst v63  }
0x116: {  	_ =	swait.ge [sflag:s28], $0x4000  }
0x117: {  	[sflag:s28] =	ssyncset.done $0x0  }
0x118: {  	[sflag:s28] =	ssyncadd.s32 $0xFFFFC000  }
0x119: {  	_ =	swait.ge [sflag:s2], $0x4000  }
0x11a: {  	[sflag:s2] =	ssyncset.done $0x0  }
0x11b: {  	[sflag:s2] =	ssyncadd.s32 $0xFFFFC000  }
0x11c: {  	[tilespmem:s9], [sflag:$0x2] =	stream.indirect.gather [hbm4b:s0+s31], $0x80, s13, s31, $0xb8;
	[tilespmem:$0x1EC00] =	vst v63  }
0x11d: {  	_ = 	snop  }
0x11e: {  	[spmem:s3] =	stream.indirect.scatter.add.f32 [tilespmem:s26], [sflag:$0x5], $0x80, s14, s31, $0xb8;
	[tilespmem:$0x1EC00] =	vst v63  }
0x11f: {  	_ =	swait.ge [sflag:s28], $0x4000  }
0x120: {  	[sflag:s28] =	ssyncset.done $0x0  }
0x121: {  	[sflag:s28] =	ssyncadd.s32 $0xFFFFC000  }
0x122: {  	_ =	swait.ge [sflag:s10], $0x4000  }
0x123: {  	[sflag:s10] =	ssyncset.done $0x0  }
0x124: {  	[sflag:s10] =	ssyncadd.s32 $0xFFFFC000  }
0x125: {  	[spmem:s3] =	stream.indirect.scatter.add.f32 [tilespmem:s9], [sflag:$0x5], $0x80, s15, s31, $0xb8;
	[tilespmem:$0x1EC00] =	vst v63  }
0x126: {  	_ =	swait.ge [sflag:s28], $0x4000  }
0x127: {  	[sflag:s28] =	ssyncset.done $0x0  }
0x128: {  	[sflag:s28] =	ssyncadd.s32 $0xFFFFC000  }
0x129: {  	_ =	swait.ge [sflag:s16], $0xC00  }
0x12a: {  	[sflag:s16] =	ssyncset.done $0x0  }
0x12b: {  	[sflag:s16] =	ssyncadd.s32 $0xFFFFF400  }
0x12c: {  	_ =	swait.ge [sflag:s16], $0xC00  }
0x12d: {  	[sflag:s16] =	ssyncset.done $0x0  }
0x12e: {  	s17 =	simm.s32 $0x0;
	s21 =	rddreg [dreg:$0x9];
	[sflag:s16] =	ssyncadd.s32 $0xFFFFF400  }
0x12f: {  	[tilespmem:s17], [sflag:$0x3] =	stream.linear.gather [hbm4b:s21+s17], $0xC00, $0x38;
	[tilespmem:$0x1EC00] =	vst v63  }
0x130: {  	s22 =	rddreg [dreg:$0xa]  }
0x131: {  	[tilespmem:s29], [sflag:$0x3] =	stream.linear.gather [hbm4b:s22+s17], $0xC00, $0x38;
	[tilespmem:$0x1EC00] =	vst v63  }
0x132: {  	_ = 	snop  }
0x133: {  	[tilespmem:s26], [sflag:$0x1] =	stream.indirect.gather [hbm4b:s0+s31], $0x80, s11, s31, $0xb8;
	[tilespmem:$0x1EC00] =	vst v63  }
0x134: {  	_ =	swait.ge [sflag:s2], $0x4000  }
0x135: {  	[sflag:s2] =	ssyncset.done $0x0  }
0x136: {  	s21 =	simm.s32 $0x1880;
	[sflag:s2] =	ssyncadd.s32 $0xFFFFC000  }
0x137: {  	[tilespmem:s9], [sflag:$0x2] =	stream.indirect.gather [hbm4b:s0+s31], $0x80, s21, s31, $0xb8;
	[tilespmem:$0x1EC00] =	vst v63  }
0x138: {  	s22 =	simm.s32 $0x2400  }
0x139: {  	[spmem:s3] =	stream.indirect.scatter.add.f32 [tilespmem:s26], [sflag:$0x5], $0x80, s22, s31, $0xb8;
	[tilespmem:$0x1EC00] =	vst v63  }
0x13a: {  	_ =	swait.ge [sflag:s28], $0x4000  }
0x13b: {  	[sflag:s28] =	ssyncset.done $0x0  }
0x13c: {  	[sflag:s28] =	ssyncadd.s32 $0xFFFFC000  }
0x13d: {  	_ =	swait.ge [sflag:s10], $0x4000  }
0x13e: {  	[sflag:s10] =	ssyncset.done $0x0  }
0x13f: {  	s21 =	simm.s32 $0x1900;
	[sflag:s10] =	ssyncadd.s32 $0xFFFFC000  }
0x140: {  	[tilespmem:s26], [sflag:$0x1] =	stream.indirect.gather [hbm4b:s0+s31], $0x80, s21, s31, $0xb8;
	[tilespmem:$0x1EC00] =	vst v63  }
0x141: {  	s22 =	simm.s32 $0x2480  }
0x142: {  	[spmem:s3] =	stream.indirect.scatter.add.f32 [tilespmem:s9], [sflag:$0x5], $0x80, s22, s31, $0xb8;
	[tilespmem:$0x1EC00] =	vst v63  }
0x143: {  	_ =	swait.ge [sflag:s28], $0x4000  }
0x144: {  	s21 =	simm.s32 $0x400;
	[sflag:s28] =	ssyncset.done $0x0  }
.LBB2_7:
0x145: {  	p1 =	sne.s32 s21, $0x2800  }
0x146: {  	[sflag:s28] =	ssyncadd.s32 $0xFFFFC000;
	s17 =	smov.u32 s21;
	s21 =	sadd.s32 $0x400, s21  }
0x147: {  	_ = 	snop  }
0x148: {  	_ =	swait.ge [sflag:s2], $0x4000  }
0x149: {  	s17 =	sshra.s32 s17, $0x2;
	[sflag:s2] =	ssyncset.done $0x0  }
0x14a: {  	s22 =	sadd.s32 $0x1880, s17;
	[sflag:s2] =	ssyncadd.s32 $0xFFFFC000  }
0x14b: {  	[tilespmem:s9], [sflag:$0x2] =	stream.indirect.gather [hbm4b:s0+s31], $0x80, s22, s31, $0xb8;
	[tilespmem:$0x1EC00] =	vst v63  }
0x14c: {  	s22 =	sadd.s32 $0x2400, s17  }
0x14d: {  	[spmem:s3] =	stream.indirect.scatter.add.f32 [tilespmem:s26], [sflag:$0x5], $0x80, s22, s31, $0xb8;
	[tilespmem:$0x1EC00] =	vst v63  }
0x14e: {  	_ =	swait.ge [sflag:s28], $0x4000  }
0x14f: {  	[sflag:s28] =	ssyncset.done $0x0  }
0x150: {  	[sflag:s28] =	ssyncadd.s32 $0xFFFFC000  }
0x151: {  	_ =	swait.ge [sflag:s10], $0x4000  }
0x152: {  	[sflag:s10] =	ssyncset.done $0x0  }
0x153: {  	s22 =	sadd.s32 $0x1900, s17;
	[sflag:s10] =	ssyncadd.s32 $0xFFFFC000  }
0x154: {  	[tilespmem:s26], [sflag:$0x1] =	stream.indirect.gather [hbm4b:s0+s31], $0x80, s22, s31, $0xb8;
	[tilespmem:$0x1EC00] =	vst v63  }
.Ltmp5:
0x155: {  	_ = 	snop;
	(pc) =	sbr.rel @p1 .LBB2_7-.Ltmp5, $4  }
0x156: {  	s17 =	sadd.s32 $0x2480, s17  }
0x157: {  	[spmem:s3] =	stream.indirect.scatter.add.f32 [tilespmem:s9], [sflag:$0x5], $0x80, s17, s31, $0xb8;
	[tilespmem:$0x1EC00] =	vst v63  }
0x158: {  	_ =	swait.ge [sflag:s28], $0x4000  }
0x159: {  	[sflag:s28] =	ssyncset.done $0x0  }
0x15a: {  	[sflag:s28] =	ssyncadd.s32 $0xFFFFC000  }
0x15b: {  	_ =	swait.ge [sflag:s2], $0x4000  }
0x15c: {  	[sflag:s2] =	ssyncset.done $0x0  }
0x15d: {  	s17 =	simm.s32 $0x2380;
	[sflag:s2] =	ssyncadd.s32 $0xFFFFC000  }
0x15e: {  	[tilespmem:s9], [sflag:$0x2] =	stream.indirect.gather [hbm4b:s0+s31], $0x80, s17, s31, $0xb8;
	[tilespmem:$0x1EC00] =	vst v63  }
0x15f: {  	_ = 	snop  }
0x160: {  	[spmem:s3] =	stream.indirect.scatter.add.f32 [tilespmem:s26], [sflag:$0x5], $0x80, s18, s31, $0xb8;
	[tilespmem:$0x1EC00] =	vst v63  }
0x161: {  	_ =	swait.ge [sflag:s28], $0x4000  }
0x162: {  	[sflag:s28] =	ssyncset.done $0x0  }
0x163: {  	[sflag:s28] =	ssyncadd.s32 $0xFFFFC000  }
0x164: {  	_ =	swait.ge [sflag:s10], $0x4000  }
0x165: {  	[sflag:s10] =	ssyncset.done $0x0  }
0x166: {  	[sflag:s10] =	ssyncadd.s32 $0xFFFFC000  }
0x167: {  	[spmem:s3] =	stream.indirect.scatter.add.f32 [tilespmem:s9], [sflag:$0x5], $0x80, s19, s31, $0xb8;
	[tilespmem:$0x1EC00] =	vst v63  }
0x168: {  	_ =	swait.ge [sflag:s28], $0x4000  }
0x169: {  	[sflag:s28] =	ssyncset.done $0x0  }
0x16a: {  	[sflag:s28] =	ssyncadd.s32 $0xFFFFC000  }
0x16b: {  	_ =	swait.ge [sflag:s30], $0xC00  }
0x16c: {  	[sflag:s30] =	ssyncset.done $0x0  }
0x16d: {  	[sflag:s30] =	ssyncadd.s32 $0xFFFFF400  }
0x16e: {  	_ =	swait.ge [sflag:s30], $0xC00  }
0x16f: {  	[sflag:s30] =	ssyncset.done $0x0  }
0x170: {  	s17 =	simm.s32 $0x0;
	s21 =	rddreg [dreg:$0xb];
	[sflag:s30] =	ssyncadd.s32 $0xFFFFF400  }
0x171: {  	[tilespmem:s11], [sflag:$0x4] =	stream.linear.gather [hbm4b:s21+s17], $0xC00, $0x38;
	[tilespmem:$0x1EC00] =	vst v63  }
0x172: {  	s22 =	rddreg [dreg:$0xc]  }
0x173: {  	[tilespmem:s12], [sflag:$0x4] =	stream.linear.gather [hbm4b:s22+s17], $0xC00, $0x38;
	[tilespmem:$0x1EC00] =	vst v63  }
0x174: {  	_ = 	snop  }
0x175: {  	[tilespmem:s26], [sflag:$0x1] =	stream.indirect.gather [hbm4b:s0+s31], $0x80, s17, s31, $0xb8;
	[tilespmem:$0x1EC00] =	vst v63  }
0x176: {  	_ =	swait.ge [sflag:s2], $0x4000  }
0x177: {  	[sflag:s2] =	ssyncset.done $0x0  }
0x178: {  	s21 =	simm.s32 $0x80;
	[sflag:s2] =	ssyncadd.s32 $0xFFFFC000  }
0x179: {  	[tilespmem:s9], [sflag:$0x2] =	stream.indirect.gather [hbm4b:s0+s31], $0x80, s21, s31, $0xb8;
	[tilespmem:$0x1EC00] =	vst v63  }
0x17a: {  	s22 =	simm.s32 $0xC00  }
0x17b: {  	[spmem:s3] =	stream.indirect.scatter.add.f32 [tilespmem:s26], [sflag:$0x5], $0x80, s22, s31, $0xb8;
	[tilespmem:$0x1EC00] =	vst v63  }
0x17c: {  	_ =	swait.ge [sflag:s28], $0x4000  }
0x17d: {  	[sflag:s28] =	ssyncset.done $0x0  }
0x17e: {  	[sflag:s28] =	ssyncadd.s32 $0xFFFFC000  }
0x17f: {  	_ =	swait.ge [sflag:s10], $0x4000  }
0x180: {  	[sflag:s10] =	ssyncset.done $0x0  }
0x181: {  	s21 =	simm.s32 $0x100;
	[sflag:s10] =	ssyncadd.s32 $0xFFFFC000  }
0x182: {  	[tilespmem:s26], [sflag:$0x1] =	stream.indirect.gather [hbm4b:s0+s31], $0x80, s21, s31, $0xb8;
	[tilespmem:$0x1EC00] =	vst v63  }
0x183: {  	s22 =	simm.s32 $0xC80  }
0x184: {  	[spmem:s3] =	stream.indirect.scatter.add.f32 [tilespmem:s9], [sflag:$0x5], $0x80, s22, s31, $0xb8;
	[tilespmem:$0x1EC00] =	vst v63  }
0x185: {  	_ =	swait.ge [sflag:s28], $0x4000  }
0x186: {  	s21 =	simm.s32 $0x400;
	[sflag:s28] =	ssyncset.done $0x0  }
.LBB2_9:
0x187: {  	p1 =	sne.s32 s21, $0x2800  }
0x188: {  	[sflag:s28] =	ssyncadd.s32 $0xFFFFC000;
	s17 =	smov.u32 s21;
	s21 =	sadd.s32 $0x400, s21  }
0x189: {  	_ = 	snop  }
0x18a: {  	_ =	swait.ge [sflag:s2], $0x4000  }
0x18b: {  	s17 =	sshra.s32 s17, $0x2;
	[sflag:s2] =	ssyncset.done $0x0  }
0x18c: {  	s22 =	sadd.s32 $0x80, s17;
	[sflag:s2] =	ssyncadd.s32 $0xFFFFC000  }
0x18d: {  	[tilespmem:s9], [sflag:$0x2] =	stream.indirect.gather [hbm4b:s0+s31], $0x80, s22, s31, $0xb8;
	[tilespmem:$0x1EC00] =	vst v63  }
0x18e: {  	s22 =	sadd.s32 $0xC00, s17  }
0x18f: {  	[spmem:s3] =	stream.indirect.scatter.add.f32 [tilespmem:s26], [sflag:$0x5], $0x80, s22, s31, $0xb8;
	[tilespmem:$0x1EC00] =	vst v63  }
0x190: {  	_ =	swait.ge [sflag:s28], $0x4000  }
0x191: {  	[sflag:s28] =	ssyncset.done $0x0  }
0x192: {  	[sflag:s28] =	ssyncadd.s32 $0xFFFFC000  }
0x193: {  	_ =	swait.ge [sflag:s10], $0x4000  }
0x194: {  	[sflag:s10] =	ssyncset.done $0x0  }
0x195: {  	s22 =	sadd.s32 $0x100, s17;
	[sflag:s10] =	ssyncadd.s32 $0xFFFFC000  }
0x196: {  	[tilespmem:s26], [sflag:$0x1] =	stream.indirect.gather [hbm4b:s0+s31], $0x80, s22, s31, $0xb8;
	[tilespmem:$0x1EC00] =	vst v63  }
.Ltmp6:
0x197: {  	_ = 	snop;
	(pc) =	sbr.rel @p1 .LBB2_9-.Ltmp6, $4  }
0x198: {  	s17 =	sadd.s32 $0xC80, s17  }
0x199: {  	[spmem:s3] =	stream.indirect.scatter.add.f32 [tilespmem:s9], [sflag:$0x5], $0x80, s17, s31, $0xb8;
	[tilespmem:$0x1EC00] =	vst v63  }
0x19a: {  	_ =	swait.ge [sflag:s28], $0x4000  }
0x19b: {  	[sflag:s28] =	ssyncset.done $0x0  }
0x19c: {  	[sflag:s28] =	ssyncadd.s32 $0xFFFFC000  }
0x19d: {  	_ =	swait.ge [sflag:s2], $0x4000  }
0x19e: {  	[sflag:s2] =	ssyncset.done $0x0  }
0x19f: {  	[sflag:s2] =	ssyncadd.s32 $0xFFFFC000  }
0x1a0: {  	[tilespmem:s9], [sflag:$0x2] =	stream.indirect.gather [hbm4b:s0+s31], $0x80, s13, s31, $0xb8;
	[tilespmem:$0x1EC00] =	vst v63  }
0x1a1: {  	_ = 	snop  }
0x1a2: {  	[spmem:s3] =	stream.indirect.scatter.add.f32 [tilespmem:s26], [sflag:$0x5], $0x80, s14, s31, $0xb8;
	[tilespmem:$0x1EC00] =	vst v63  }
0x1a3: {  	_ =	swait.ge [sflag:s28], $0x4000  }
0x1a4: {  	[sflag:s28] =	ssyncset.done $0x0  }
0x1a5: {  	[sflag:s28] =	ssyncadd.s32 $0xFFFFC000  }
0x1a6: {  	_ =	swait.ge [sflag:s10], $0x4000  }
0x1a7: {  	[sflag:s10] =	ssyncset.done $0x0  }
0x1a8: {  	[sflag:s10] =	ssyncadd.s32 $0xFFFFC000  }
0x1a9: {  	[spmem:s3] =	stream.indirect.scatter.add.f32 [tilespmem:s9], [sflag:$0x5], $0x80, s15, s31, $0xb8;
	[tilespmem:$0x1EC00] =	vst v63  }
0x1aa: {  	_ =	swait.ge [sflag:s28], $0x4000  }
0x1ab: {  	[sflag:s28] =	ssyncset.done $0x0  }
0x1ac: {  	[sflag:s28] =	ssyncadd.s32 $0xFFFFC000  }
0x1ad: {  	_ =	swait.ge [sflag:s16], $0xC00  }
0x1ae: {  	[sflag:s16] =	ssyncset.done $0x0  }
0x1af: {  	[sflag:s16] =	ssyncadd.s32 $0xFFFFF400  }
0x1b0: {  	_ =	swait.ge [sflag:s16], $0xC00  }
0x1b1: {  	[sflag:s16] =	ssyncset.done $0x0  }
0x1b2: {  	s17 =	simm.s32 $0x0;
	s21 =	rddreg [dreg:$0xd];
	[sflag:s16] =	ssyncadd.s32 $0xFFFFF400  }
0x1b3: {  	[tilespmem:s17], [sflag:$0x3] =	stream.linear.gather [hbm4b:s21+s17], $0xC00, $0x38;
	[tilespmem:$0x1EC00] =	vst v63  }
0x1b4: {  	s22 =	rddreg [dreg:$0xe]  }
0x1b5: {  	[tilespmem:s29], [sflag:$0x3] =	stream.linear.gather [hbm4b:s22+s17], $0xC00, $0x38;
	[tilespmem:$0x1EC00] =	vst v63  }
0x1b6: {  	_ = 	snop  }
0x1b7: {  	[tilespmem:s26], [sflag:$0x1] =	stream.indirect.gather [hbm4b:s0+s31], $0x80, s11, s31, $0xb8;
	[tilespmem:$0x1EC00] =	vst v63  }
0x1b8: {  	_ =	swait.ge [sflag:s2], $0x4000  }
0x1b9: {  	[sflag:s2] =	ssyncset.done $0x0  }
0x1ba: {  	s21 =	simm.s32 $0x1880;
	[sflag:s2] =	ssyncadd.s32 $0xFFFFC000  }
0x1bb: {  	[tilespmem:s9], [sflag:$0x2] =	stream.indirect.gather [hbm4b:s0+s31], $0x80, s21, s31, $0xb8;
	[tilespmem:$0x1EC00] =	vst v63  }
0x1bc: {  	s22 =	simm.s32 $0x2400  }
0x1bd: {  	[spmem:s3] =	stream.indirect.scatter.add.f32 [tilespmem:s26], [sflag:$0x5], $0x80, s22, s31, $0xb8;
	[tilespmem:$0x1EC00] =	vst v63  }
0x1be: {  	_ =	swait.ge [sflag:s28], $0x4000  }
0x1bf: {  	[sflag:s28] =	ssyncset.done $0x0  }
0x1c0: {  	[sflag:s28] =	ssyncadd.s32 $0xFFFFC000  }
0x1c1: {  	_ =	swait.ge [sflag:s10], $0x4000  }
0x1c2: {  	[sflag:s10] =	ssyncset.done $0x0  }
0x1c3: {  	s21 =	simm.s32 $0x1900;
	[sflag:s10] =	ssyncadd.s32 $0xFFFFC000  }
0x1c4: {  	[tilespmem:s26], [sflag:$0x1] =	stream.indirect.gather [hbm4b:s0+s31], $0x80, s21, s31, $0xb8;
	[tilespmem:$0x1EC00] =	vst v63  }
0x1c5: {  	s22 =	simm.s32 $0x2480  }
0x1c6: {  	[spmem:s3] =	stream.indirect.scatter.add.f32 [tilespmem:s9], [sflag:$0x5], $0x80, s22, s31, $0xb8;
	[tilespmem:$0x1EC00] =	vst v63  }
0x1c7: {  	_ =	swait.ge [sflag:s28], $0x4000  }
0x1c8: {  	s21 =	simm.s32 $0x400;
	[sflag:s28] =	ssyncset.done $0x0  }
.LBB2_11:
0x1c9: {  	p1 =	sne.s32 s21, $0x2800  }
0x1ca: {  	[sflag:s28] =	ssyncadd.s32 $0xFFFFC000;
	s17 =	smov.u32 s21;
	s21 =	sadd.s32 $0x400, s21  }
0x1cb: {  	_ = 	snop  }
0x1cc: {  	_ =	swait.ge [sflag:s2], $0x4000  }
0x1cd: {  	s17 =	sshra.s32 s17, $0x2;
	[sflag:s2] =	ssyncset.done $0x0  }
0x1ce: {  	s22 =	sadd.s32 $0x1880, s17;
	[sflag:s2] =	ssyncadd.s32 $0xFFFFC000  }
0x1cf: {  	[tilespmem:s9], [sflag:$0x2] =	stream.indirect.gather [hbm4b:s0+s31], $0x80, s22, s31, $0xb8;
	[tilespmem:$0x1EC00] =	vst v63  }
0x1d0: {  	s22 =	sadd.s32 $0x2400, s17  }
0x1d1: {  	[spmem:s3] =	stream.indirect.scatter.add.f32 [tilespmem:s26], [sflag:$0x5], $0x80, s22, s31, $0xb8;
	[tilespmem:$0x1EC00] =	vst v63  }
0x1d2: {  	_ =	swait.ge [sflag:s28], $0x4000  }
0x1d3: {  	[sflag:s28] =	ssyncset.done $0x0  }
0x1d4: {  	[sflag:s28] =	ssyncadd.s32 $0xFFFFC000  }
0x1d5: {  	_ =	swait.ge [sflag:s10], $0x4000  }
0x1d6: {  	[sflag:s10] =	ssyncset.done $0x0  }
0x1d7: {  	s22 =	sadd.s32 $0x1900, s17;
	[sflag:s10] =	ssyncadd.s32 $0xFFFFC000  }
0x1d8: {  	[tilespmem:s26], [sflag:$0x1] =	stream.indirect.gather [hbm4b:s0+s31], $0x80, s22, s31, $0xb8;
	[tilespmem:$0x1EC00] =	vst v63  }
.Ltmp7:
0x1d9: {  	_ = 	snop;
	(pc) =	sbr.rel @p1 .LBB2_11-.Ltmp7, $4  }
0x1da: {  	s17 =	sadd.s32 $0x2480, s17  }
0x1db: {  	[spmem:s3] =	stream.indirect.scatter.add.f32 [tilespmem:s9], [sflag:$0x5], $0x80, s17, s31, $0xb8;
	[tilespmem:$0x1EC00] =	vst v63  }
0x1dc: {  	_ =	swait.ge [sflag:s28], $0x4000  }
0x1dd: {  	[sflag:s28] =	ssyncset.done $0x0  }
0x1de: {  	[sflag:s28] =	ssyncadd.s32 $0xFFFFC000  }
0x1df: {  	_ =	swait.ge [sflag:s2], $0x4000  }
0x1e0: {  	[sflag:s2] =	ssyncset.done $0x0  }
0x1e1: {  	s17 =	simm.s32 $0x2380;
	[sflag:s2] =	ssyncadd.s32 $0xFFFFC000  }
0x1e2: {  	[tilespmem:s9], [sflag:$0x2] =	stream.indirect.gather [hbm4b:s0+s31], $0x80, s17, s31, $0xb8;
	[tilespmem:$0x1EC00] =	vst v63  }
0x1e3: {  	_ = 	snop  }
0x1e4: {  	[spmem:s3] =	stream.indirect.scatter.add.f32 [tilespmem:s26], [sflag:$0x5], $0x80, s18, s31, $0xb8;
	[tilespmem:$0x1EC00] =	vst v63  }
0x1e5: {  	_ =	swait.ge [sflag:s28], $0x4000  }
0x1e6: {  	[sflag:s28] =	ssyncset.done $0x0  }
0x1e7: {  	[sflag:s28] =	ssyncadd.s32 $0xFFFFC000  }
0x1e8: {  	_ =	swait.ge [sflag:s10], $0x4000  }
0x1e9: {  	[sflag:s10] =	ssyncset.done $0x0  }
0x1ea: {  	[sflag:s10] =	ssyncadd.s32 $0xFFFFC000  }
0x1eb: {  	[spmem:s3] =	stream.indirect.scatter.add.f32 [tilespmem:s9], [sflag:$0x5], $0x80, s19, s31, $0xb8;
	[tilespmem:$0x1EC00] =	vst v63  }
0x1ec: {  	_ =	swait.ge [sflag:s28], $0x4000  }
0x1ed: {  	[sflag:s28] =	ssyncset.done $0x0  }
0x1ee: {  	[sflag:s28] =	ssyncadd.s32 $0xFFFFC000  }
0x1ef: {  	_ =	swait.ge [sflag:s30], $0xC00  }
0x1f0: {  	[sflag:s30] =	ssyncset.done $0x0  }
0x1f1: {  	[sflag:s30] =	ssyncadd.s32 $0xFFFFF400  }
0x1f2: {  	_ =	swait.ge [sflag:s30], $0xC00  }
0x1f3: {  	[sflag:s30] =	ssyncset.done $0x0  }
0x1f4: {  	s17 =	simm.s32 $0x0;
	s21 =	rddreg [dreg:$0xf];
	[sflag:s30] =	ssyncadd.s32 $0xFFFFF400  }
0x1f5: {  	[tilespmem:s11], [sflag:$0x4] =	stream.linear.gather [hbm4b:s21+s17], $0xC00, $0x38;
	[tilespmem:$0x1EC00] =	vst v63  }
0x1f6: {  	s22 =	rddreg [dreg:$0x10]  }
0x1f7: {  	[tilespmem:s12], [sflag:$0x4] =	stream.linear.gather [hbm4b:s22+s17], $0xC00, $0x38;
	[tilespmem:$0x1EC00] =	vst v63  }
0x1f8: {  	_ = 	snop  }
0x1f9: {  	[tilespmem:s26], [sflag:$0x1] =	stream.indirect.gather [hbm4b:s0+s31], $0x80, s17, s31, $0xb8;
	[tilespmem:$0x1EC00] =	vst v63  }
0x1fa: {  	_ =	swait.ge [sflag:s2], $0x4000  }
0x1fb: {  	[sflag:s2] =	ssyncset.done $0x0  }
0x1fc: {  	s21 =	simm.s32 $0x80;
	[sflag:s2] =	ssyncadd.s32 $0xFFFFC000  }
0x1fd: {  	[tilespmem:s9], [sflag:$0x2] =	stream.indirect.gather [hbm4b:s0+s31], $0x80, s21, s31, $0xb8;
	[tilespmem:$0x1EC00] =	vst v63  }
0x1fe: {  	s22 =	simm.s32 $0xC00  }
0x1ff: {  	[spmem:s3] =	stream.indirect.scatter.add.f32 [tilespmem:s26], [sflag:$0x5], $0x80, s22, s31, $0xb8;
	[tilespmem:$0x1EC00] =	vst v63  }
0x200: {  	_ =	swait.ge [sflag:s28], $0x4000  }
0x201: {  	[sflag:s28] =	ssyncset.done $0x0  }
0x202: {  	[sflag:s28] =	ssyncadd.s32 $0xFFFFC000  }
0x203: {  	_ =	swait.ge [sflag:s10], $0x4000  }
0x204: {  	[sflag:s10] =	ssyncset.done $0x0  }
0x205: {  	s21 =	simm.s32 $0x100;
	[sflag:s10] =	ssyncadd.s32 $0xFFFFC000  }
0x206: {  	[tilespmem:s26], [sflag:$0x1] =	stream.indirect.gather [hbm4b:s0+s31], $0x80, s21, s31, $0xb8;
	[tilespmem:$0x1EC00] =	vst v63  }
0x207: {  	s22 =	simm.s32 $0xC80  }
0x208: {  	[spmem:s3] =	stream.indirect.scatter.add.f32 [tilespmem:s9], [sflag:$0x5], $0x80, s22, s31, $0xb8;
	[tilespmem:$0x1EC00] =	vst v63  }
0x209: {  	_ =	swait.ge [sflag:s28], $0x4000  }
0x20a: {  	s21 =	simm.s32 $0x400;
	[sflag:s28] =	ssyncset.done $0x0  }
.LBB2_13:
0x20b: {  	p1 =	sne.s32 s21, $0x2800  }
0x20c: {  	[sflag:s28] =	ssyncadd.s32 $0xFFFFC000;
	s17 =	smov.u32 s21;
	s21 =	sadd.s32 $0x400, s21  }
0x20d: {  	_ = 	snop  }
0x20e: {  	_ =	swait.ge [sflag:s2], $0x4000  }
0x20f: {  	s17 =	sshra.s32 s17, $0x2;
	[sflag:s2] =	ssyncset.done $0x0  }
0x210: {  	s22 =	sadd.s32 $0x80, s17;
	[sflag:s2] =	ssyncadd.s32 $0xFFFFC000  }
0x211: {  	[tilespmem:s9], [sflag:$0x2] =	stream.indirect.gather [hbm4b:s0+s31], $0x80, s22, s31, $0xb8;
	[tilespmem:$0x1EC00] =	vst v63  }
0x212: {  	s22 =	sadd.s32 $0xC00, s17  }
0x213: {  	[spmem:s3] =	stream.indirect.scatter.add.f32 [tilespmem:s26], [sflag:$0x5], $0x80, s22, s31, $0xb8;
	[tilespmem:$0x1EC00] =	vst v63  }
0x214: {  	_ =	swait.ge [sflag:s28], $0x4000  }
0x215: {  	[sflag:s28] =	ssyncset.done $0x0  }
0x216: {  	[sflag:s28] =	ssyncadd.s32 $0xFFFFC000  }
0x217: {  	_ =	swait.ge [sflag:s10], $0x4000  }
0x218: {  	[sflag:s10] =	ssyncset.done $0x0  }
0x219: {  	s22 =	sadd.s32 $0x100, s17;
	[sflag:s10] =	ssyncadd.s32 $0xFFFFC000  }
0x21a: {  	[tilespmem:s26], [sflag:$0x1] =	stream.indirect.gather [hbm4b:s0+s31], $0x80, s22, s31, $0xb8;
	[tilespmem:$0x1EC00] =	vst v63  }
.Ltmp8:
0x21b: {  	_ = 	snop;
	(pc) =	sbr.rel @p1 .LBB2_13-.Ltmp8, $4  }
0x21c: {  	s17 =	sadd.s32 $0xC80, s17  }
0x21d: {  	[spmem:s3] =	stream.indirect.scatter.add.f32 [tilespmem:s9], [sflag:$0x5], $0x80, s17, s31, $0xb8;
	[tilespmem:$0x1EC00] =	vst v63  }
0x21e: {  	_ =	swait.ge [sflag:s28], $0x4000  }
0x21f: {  	[sflag:s28] =	ssyncset.done $0x0  }
0x220: {  	[sflag:s28] =	ssyncadd.s32 $0xFFFFC000  }
0x221: {  	_ =	swait.ge [sflag:s2], $0x4000  }
0x222: {  	[sflag:s2] =	ssyncset.done $0x0  }
0x223: {  	[sflag:s2] =	ssyncadd.s32 $0xFFFFC000  }
0x224: {  	[tilespmem:s9], [sflag:$0x2] =	stream.indirect.gather [hbm4b:s0+s31], $0x80, s13, s31, $0xb8;
	[tilespmem:$0x1EC00] =	vst v63  }
0x225: {  	_ = 	snop  }
0x226: {  	[spmem:s3] =	stream.indirect.scatter.add.f32 [tilespmem:s26], [sflag:$0x5], $0x80, s14, s31, $0xb8;
	[tilespmem:$0x1EC00] =	vst v63  }
0x227: {  	_ =	swait.ge [sflag:s28], $0x4000  }
0x228: {  	[sflag:s28] =	ssyncset.done $0x0  }
0x229: {  	[sflag:s28] =	ssyncadd.s32 $0xFFFFC000  }
0x22a: {  	_ =	swait.ge [sflag:s10], $0x4000  }
0x22b: {  	[sflag:s10] =	ssyncset.done $0x0  }
0x22c: {  	[sflag:s10] =	ssyncadd.s32 $0xFFFFC000  }
0x22d: {  	[spmem:s3] =	stream.indirect.scatter.add.f32 [tilespmem:s9], [sflag:$0x5], $0x80, s15, s31, $0xb8;
	[tilespmem:$0x1EC00] =	vst v63  }
0x22e: {  	_ =	swait.ge [sflag:s28], $0x4000  }
0x22f: {  	[sflag:s28] =	ssyncset.done $0x0  }
0x230: {  	[sflag:s28] =	ssyncadd.s32 $0xFFFFC000  }
0x231: {  	_ =	swait.ge [sflag:s16], $0xC00  }
0x232: {  	[sflag:s16] =	ssyncset.done $0x0  }
0x233: {  	[sflag:s16] =	ssyncadd.s32 $0xFFFFF400  }
0x234: {  	_ =	swait.ge [sflag:s16], $0xC00  }
0x235: {  	[sflag:s16] =	ssyncset.done $0x0  }
0x236: {  	s21 =	simm.s32 $0x0;
	[sflag:s16] =	ssyncadd.s32 $0xFFFFF400  }
0x237: {  	[tilespmem:s26], [sflag:$0x1] =	stream.indirect.gather [hbm4b:s0+s31], $0x80, s11, s31, $0xb8;
	[tilespmem:$0x1EC00] =	vst v63  }
.LBB2_15:
0x238: {  	_ =	swait.ge [sflag:s2], $0x4000  }
0x239: {  	s17 =	sshra.s32 s21, $0x2;
	[sflag:s2] =	ssyncset.done $0x0  }
0x23a: {  	s22 =	sadd.s32 $0x1880, s17;
	[sflag:s2] =	ssyncadd.s32 $0xFFFFC000  }
0x23b: {  	[tilespmem:s9], [sflag:$0x2] =	stream.indirect.gather [hbm4b:s0+s31], $0x80, s22, s31, $0xb8;
	[tilespmem:$0x1EC00] =	vst v63  }
0x23c: {  	s22 =	sadd.s32 $0x2400, s17  }
0x23d: {  	[spmem:s3] =	stream.indirect.scatter.add.f32 [tilespmem:s26], [sflag:$0x5], $0x80, s22, s31, $0xb8;
	[tilespmem:$0x1EC00] =	vst v63  }
0x23e: {  	_ =	swait.ge [sflag:s28], $0x4000  }
0x23f: {  	[sflag:s28] =	ssyncset.done $0x0  }
0x240: {  	[sflag:s28] =	ssyncadd.s32 $0xFFFFC000  }
0x241: {  	_ =	swait.ge [sflag:s10], $0x4000  }
0x242: {  	[sflag:s10] =	ssyncset.done $0x0  }
0x243: {  	p1 =	seq.s32 s21, $0x2800;
	s22 =	sadd.s32 $0x1900, s17;
	[sflag:s10] =	ssyncadd.s32 $0xFFFFC000  }
0x244: {  	[tilespmem:s26], [sflag:$0x1] =	stream.indirect.gather [hbm4b:s0+s31], $0x80, s22, s31, $0xb8;
	[tilespmem:$0x1EC00] =	vst v63  }
.Ltmp9:
0x245: {  	s17 =	sadd.s32 $0x2480, s17;
	(pc) =	sbr.rel @!p1 .LBB2_15-.Ltmp9, $4  }
0x246: {  	[spmem:s3] =	stream.indirect.scatter.add.f32 [tilespmem:s9], [sflag:$0x5], $0x80, s17, s31, $0xb8;
	[tilespmem:$0x1EC00] =	vst v63  }
0x247: {  	_ =	swait.ge [sflag:s28], $0x4000  }
0x248: {  	[sflag:s28] =	ssyncset.done $0x0  }
0x249: {  	s21 =	sadd.s32 $0x400, s21;
	[sflag:s28] =	ssyncadd.s32 $0xFFFFC000  }
.Ltmp10:
0x24a: {  	(pc) =	sbr.rel .LBB2_18-.Ltmp10, $2  }
0x24b: {  	_ =	sdelay $0x2  }
0x24c: {  	s21 =	simm.s32 $0x2F80;
	s22 =	simm.s32 $0x2F00;
	s17 =	simm.s32 $0x2380  }
.LBB2_19:
0x24d: {  	_ =	sfence.sel $0x180000  }
0x24e: {  	[bflag:$0x0] =	sbarrier.arrive $0xFFFF  }
0x24f: {  	_ =	strace $0x90000047  }
0x250: {  	[bflag:$0x2] =	sbarrier.arrive $0xFFFF  }
0x251: {  	p0 =	sne.s32 s1, $0x0;
	s0 =	rddreg [dreg:$0x4]  }
0x252: {  	s0 =	sadd.s32 @!p0 $0x100000, s0  }
0x253: {  	[sflag:s0] =	ssyncadd.tile.s32 @!p0 $0x1;
	_ =	shalt  }
.Lfunc_end2:
_tile_overlayer_lowered:
.L_overlay_start_2:
0x254: {  	(tag) =	ssettag $0x2  }
0x255: {  	s0 =	rddreg [dreg:$0x0];
	s2 =	stileid.u32  }
0x256: {  	s1 =	rddreg [dreg:$0x1];
	p0 =	sne.s32 s2, $0x0  }
0x257: {  	s3 =	rddreg [dreg:$0x2];
	[bflag:$0x3] =	sbarrier.arrive $0xFFFF;
	s2 =	simm.s32 @!p0 $0x1C05  }
0x258: {  	[timem:s3], [sflag:s2] =	dma.local @!p0 [hbm:s0], s1  }
0x259: {  	s0 =	simm.s32 @!p0 $0x5  }
0x25a: {  	_ =	swait.ge @!p0 [sflag:s0], s1  }
0x25b: {  	s1 =	ssub.s32 @!p0 $0x0, s1;
	[sflag:s0] =	ssyncset.done @!p0 $0x0  }
0x25c: {  	[sflag:s0] =	ssyncadd.s32 @!p0 s1  }
0x25d: {  	[bflag:$0x3] =	sbarrier.arrive $0xFFFF  }
0x25e: {  	_ =	shalt  }

</sc_bundles>
